<compile_context>
chip_gen: v7x
topology: tpu7x:2x2x1
jax: 0.10.2.dev20260603
libtpu: 0.0.44.dev20260713+nightly
codegen_flags: <defaults>
</compile_context>

<pallas_src>
import functools

import jax
import jax.numpy as jnp
from jax import lax
from jax.experimental import pallas as pl
from jax.experimental.pallas import tpu as pltpu
from jax.experimental.pallas import tpu_sc as plsc

Q = 512
S = 2048
INPUT_DIM = 256
EMB = 64
K_NN = 32
INV_TEMP = 10.0
SCREEN = 2e-3
NBUCK = 256
ROWS_PER_WORKER = 16
UNROLL = 8


def _bdot(a, b):
    return jnp.dot(a.astype(jnp.bfloat16), b.astype(jnp.bfloat16),
                   preferred_element_type=jnp.float32)


def _mlp(v, W1, b1, W2, b2, W3, b3):
    h = jax.nn.gelu(_bdot(v, W1) + b1)
    h = jax.nn.gelu(_bdot(h, W2) + b2)
    return jax.nn.sigmoid(_bdot(h, W3) + b3)


def _dist_kernel(x_ref, W1_ref, b1_ref, W2_ref, b2_ref, W3_ref, b3_ref,
                 sx_ref, bitsT_ref):
    W1 = W1_ref[...]
    b1 = b1_ref[...]
    W2 = W2_ref[...]
    b2 = b2_ref[...]
    W3 = W3_ref[...]
    b3 = b3_ref[...]

    q_emb = _mlp(x_ref[...], W1, b1, W2, b2, W3, b3)
    s_emb = _mlp(sx_ref[...], W1, b1, W2, b2, W3, b3)

    s2 = jnp.sum(s_emb * s_emb, axis=1, keepdims=True)
    ones = jnp.ones((1, EMB), dtype=jnp.float32)
    q2 = lax.dot_general(ones, q_emb * q_emb,
                         (((1,), (1,)), ((), ())),
                         preferred_element_type=jnp.float32,
                         precision=lax.Precision.HIGHEST)
    sqT = lax.dot_general(s_emb.astype(jnp.bfloat16), q_emb.astype(jnp.bfloat16),
                          (((1,), (1,)), ((), ())),
                          preferred_element_type=jnp.float32)
    sqT = q2 + s2 - 2.0 * sqT
    dT = jnp.sqrt(jnp.maximum(sqT, 0.0))
    dmT = jnp.where(sqT <= SCREEN, jnp.inf, dT)
    bitsT_ref[...] = lax.bitcast_convert_type(dmT, jnp.int32)


def _sc_level(block_v, hist_v, shift, prefix, target):
    lane = lax.iota(jnp.int32, 16)
    ones16 = jnp.ones((16,), jnp.int32)
    z16 = jnp.zeros((16,), jnp.int32)

    @plsc.parallel_loop(0, NBUCK, unroll=UNROLL)
    def _zero(k):
        hist_v[pl.ds(k * 16, 16)] = z16

    @plsc.parallel_loop(0, S, unroll=UNROLL)
    def _step(s):
        b = block_v[s]
        bucket = jnp.bitwise_and(jnp.right_shift(b, shift), 255)
        addr = bucket * 16 + lane
        if prefix is None:
            plsc.addupdate_scatter(hist_v, [addr], ones16)
        else:
            match = jnp.right_shift(b, shift + 8) == prefix
            plsc.addupdate_scatter(hist_v, [addr], ones16, mask=match)

    def scan(k, carry):
        cum, kstar, cbelow = carry
        h = hist_v[pl.ds(k * 16, 16)]
        newcum = cum + h
        cond = jnp.logical_and(cum < target, newcum >= target)
        kv = jnp.full((16,), k, jnp.int32)
        kstar = jnp.where(cond, kv, kstar)
        cbelow = jnp.where(cond, cum, cbelow)
        return (newcum, kstar, cbelow)

    _, kstar, cbelow = plsc.parallel_loop(
        0, NBUCK, unroll=UNROLL, carry=(z16, z16, z16))(scan)
    return kstar, cbelow


def _sc_select(bitsT_hbm, t_hbm, block_v, hist_v, tout_v):
    w = lax.axis_index("s") * 2 + lax.axis_index("c")
    base = w * ROWS_PER_WORKER
    pltpu.sync_copy(bitsT_hbm.at[:, pl.ds(base, ROWS_PER_WORKER)], block_v)

    k32 = jnp.full((16,), K_NN, jnp.int32)
    k1, cb1 = _sc_level(block_v, hist_v, 24, None, k32)
    k2, cb2 = _sc_level(block_v, hist_v, 16, k1, k32 - cb1)
    p3 = k1 * 256 + k2
    k3, _ = _sc_level(block_v, hist_v, 8, p3, k32 - cb1 - cb2)
    tout_v[...] = (p3 * 256 + k3) * 256
    pltpu.sync_copy(tout_v, t_hbm.at[pl.ds(base, ROWS_PER_WORKER)])


def _weight_kernel(bitsT_ref, t_ref, lab_ref, out_ref):
    bitsT = bitsT_ref[...]
    t = t_ref[...]
    lab = lab_ref[...]
    dmat = lax.bitcast_convert_type(bitsT, jnp.float32)
    m1 = jnp.min(dmat, axis=0, keepdims=True)
    sel_lt = bitsT < t
    sel_eq = jnp.logical_and(jnp.logical_not(sel_lt), bitsT < t + NBUCK)
    w = jnp.exp((m1 - dmat) * INV_TEMP)
    wl = w * lab
    f32 = jnp.float32
    cnt_lt = jnp.sum(sel_lt.astype(f32), axis=0, keepdims=True)
    cnt_eq = jnp.sum(sel_eq.astype(f32), axis=0, keepdims=True)
    frac = (K_NN - cnt_lt) / jnp.maximum(cnt_eq, 1.0)
    num = (jnp.sum(jnp.where(sel_lt, wl, 0.0), axis=0, keepdims=True)
           + frac * jnp.sum(jnp.where(sel_eq, wl, 0.0), axis=0, keepdims=True))
    den = (jnp.sum(jnp.where(sel_lt, w, 0.0), axis=0, keepdims=True)
           + frac * jnp.sum(jnp.where(sel_eq, w, 0.0), axis=0, keepdims=True))
    out_ref[...] = num / den


@jax.jit
def kernel(x, W1, b1, W2, b2, W3, b3, support_x, support_labels):
    bitsT = pl.pallas_call(
        _dist_kernel,
        out_shape=jax.ShapeDtypeStruct((S, Q), jnp.int32),
    )(x, W1, b1.reshape(1, EMB), W2, b2.reshape(1, EMB),
      W3, b3.reshape(1, EMB), support_x)

    sc = functools.partial(
        pl.kernel,
        mesh=plsc.VectorSubcoreMesh(core_axis_name="c", subcore_axis_name="s"),
        out_type=jax.ShapeDtypeStruct((Q,), jnp.int32),
        scratch_types=[
            pltpu.VMEM((S, ROWS_PER_WORKER), jnp.int32),
            pltpu.VMEM((NBUCK * 16,), jnp.int32),
            pltpu.VMEM((16,), jnp.int32),
        ],
        compiler_params=pltpu.CompilerParams(needs_layout_passes=False,
                                             use_tc_tiling_on_sc=False),
    )
    t = sc(_sc_select)(bitsT)

    out = pl.pallas_call(
        _weight_kernel,
        out_shape=jax.ShapeDtypeStruct((1, Q), jnp.float32),
    )(bitsT, t.reshape(1, Q), support_labels.reshape(S, 1))
    return out.reshape(Q)

# --- scband reference (transcript-rebuilt; emitter-appended) ---
"""Pipeline reference for scband-neural-knn-56521769616034 (READ-ONLY COPY).

The authoritative reference and input builder live on the scoring server;
editing this copy changes nothing except your own understanding.
"""

import jax, jax.numpy as jnp
import numpy as np

Q = 512
S = 2048
INPUT_DIM = 256
EMB = 64
K_NN = 32
TEMP = 0.1


def _embed(x, W1, b1, W2, b2, W3, b3):
    h = jax.nn.gelu(x @ W1 + b1)
    h = jax.nn.gelu(h @ W2 + b2)
    return jax.nn.sigmoid(h @ W3 + b3)


def _cdist(q, s):
    q2 = jnp.sum(q * q, axis=-1, keepdims=True)
    s2 = jnp.sum(s * s, axis=-1)[None, :]
    sq = q2 + s2 - 2.0 * (q @ s.T)
    return jnp.sqrt(jnp.maximum(sq, 0.0))


def setup_inputs(seed: int = 0) -> dict:
    key = jax.random.key(seed)
    ks = jax.random.split(key, 9)
    x = jax.random.normal(ks[0], (Q, INPUT_DIM), dtype=jnp.float32)
    W1 = jax.random.normal(ks[1], (INPUT_DIM, EMB), dtype=jnp.float32) * (1.0 / np.sqrt(INPUT_DIM))
    b1 = jnp.zeros((EMB,), dtype=jnp.float32)
    W2 = jax.random.normal(ks[2], (EMB, EMB), dtype=jnp.float32) * (1.0 / np.sqrt(EMB))
    b2 = jnp.zeros((EMB,), dtype=jnp.float32)
    W3 = jax.random.normal(ks[3], (EMB, EMB), dtype=jnp.float32) * (1.0 / np.sqrt(EMB))
    b3 = jnp.zeros((EMB,), dtype=jnp.float32)
    support_x = jax.random.normal(ks[4], (S, INPUT_DIM), dtype=jnp.float32)
    support_labels = jax.random.uniform(ks[5], (S,), dtype=jnp.float32)
    return {"x": x, "W1": W1, "b1": b1, "W2": W2, "b2": b2, "W3": W3, "b3": b3,
            "support_x": support_x, "support_labels": support_labels}


def reference(x, W1, b1, W2, b2, W3, b3, support_x, support_labels):
    # set_support: embed support set (no grad in torch original)
    s_emb = _embed(support_x, W1, b1, W2, b2, W3, b3)
    q_emb = _embed(x, W1, b1, W2, b2, W3, b3)
    distances = _cdist(q_emb, s_emb)
    # torch.isclose(a, b, rtol, atol): |a-b| <= atol + rtol*|b|
    diff = jnp.abs(q_emb[:, None, :] - s_emb[None, :, :])
    tol = 1e-5 + 1e-5 * jnp.abs(s_emb[None, :, :])
    mask = jnp.all(diff <= tol, axis=-1)
    distances = jnp.where(mask, jnp.inf, distances)
    neg_vals, indices = jax.lax.top_k(-distances, K_NN)
    d = -neg_vals
    neighbor_labels = support_labels[indices]
    weights = jax.nn.softmax(-d / TEMP, axis=1)
    predictions = jnp.sum(weights * neighbor_labels, axis=1)
    return predictions

if __name__ == "__main__":
    import jax
    _d = setup_inputs()
    print(jax.jit(kernel)(*tuple(_d.values())))

</pallas_src>

<mosaic_0001>
#map = affine_map<(d0, d1) -> (0, 0)>
#map1 = affine_map<(d0, d1) -> (0)>
module attributes {stable_mosaic.version = 14 : i64} {
  func.func @_sc_select(%arg0: i32, %arg1: i32, %arg2: memref<2048x512xi32, #tpu.memory_space<hbm>>, %arg3: memref<512xi32, #tpu.memory_space<hbm>>, %arg4: memref<2048x16xi32, #tpu.memory_space<vmem>>, %arg5: memref<4096xi32, #tpu.memory_space<vmem>>, %arg6: memref<16xi32, #tpu.memory_space<vmem>>) attributes {dimension_semantics = [#tpu.dimension_semantics<core_parallel>, #tpu.dimension_semantics<subcore_parallel>], iteration_bounds = array<i64: 2, 16>, scalar_prefetch = 0 : i64, scratch_operands = 3 : i64, tpu.core_type = #tpu.core_type<sc_vector_subcore>, window_params = [{transform_indices = #map}, {transform_indices = #map1}]} {
    %mul3A = arith.constant 2 : i32
    %mul3A_0 = arith.muli %arg1, %mul3A : i32
    %add3A = arith.addi %mul3A_0, %arg0 : i32
    %mul3A_1 = arith.constant 16 : i32
    %mul3A_2 = arith.muli %add3A, %mul3A_1 : i32
    "tpu.region"() ({
      %run_scoped3A = tpu.sem_alloc : memref<!tpu.dma_semaphore, #tpu.memory_space<semaphore_mem>>
      %dma_start3A = arith.constant 0 : i32
      %dma_start3A_61 = tpu.memref_slice %arg2[%dma_start3A, %mul3A_2] : memref<2048x512xi32, #tpu.memory_space<hbm>> -> memref<2048x16xi32, #tpu.memory_space<hbm>>
      %dma_start3A_62 = arith.constant 0 : i32
      %dma_start3A_63 = tpu.memref_slice %arg2[%dma_start3A_62, %mul3A_2] : memref<2048x512xi32, #tpu.memory_space<hbm>> -> memref<2048x16xi32, #tpu.memory_space<hbm>>
      tpu.enqueue_dma source(%dma_start3A_63 : memref<2048x16xi32, #tpu.memory_space<hbm>>) target(%arg4 : memref<2048x16xi32, #tpu.memory_space<vmem>>) target_semaphore(%run_scoped3A : memref<!tpu.dma_semaphore, #tpu.memory_space<semaphore_mem>>)
      %dma_wait3A = arith.constant 0 : i32
      %dma_wait3A_64 = tpu.memref_slice %arg2[%dma_wait3A, %mul3A_2] : memref<2048x512xi32, #tpu.memory_space<hbm>> -> memref<2048x16xi32, #tpu.memory_space<hbm>>
      %dma_wait3A_65 = arith.constant 0 : i32
      %dma_wait3A_66 = tpu.memref_slice %arg2[%dma_wait3A_65, %mul3A_2] : memref<2048x512xi32, #tpu.memory_space<hbm>> -> memref<2048x16xi32, #tpu.memory_space<hbm>>
      tpu.wait_dma2 semaphore(%run_scoped3A : memref<!tpu.dma_semaphore, #tpu.memory_space<semaphore_mem>>) src(%dma_wait3A_66 : memref<2048x16xi32, #tpu.memory_space<hbm>>) dst(%arg4 : memref<2048x16xi32, #tpu.memory_space<vmem>>)
      tpu.yield
    }) : () -> ()
    %broadcast_in_dim3A = arith.constant 32 : i32
    %broadcast_in_dim3A_3 = vector.broadcast %broadcast_in_dim3A : i32 to vector<16xi32>
    %iota3A = tpu.iota {dimensions = array<i32: 0>} : vector<16xi32>
    %broadcast_in_dim3A_4 = arith.constant 1 : i32
    %broadcast_in_dim3A_5 = vector.broadcast %broadcast_in_dim3A_4 : i32 to vector<16xi32>
    %broadcast_in_dim3A_6 = arith.constant 0 : i32
    %broadcast_in_dim3A_7 = vector.broadcast %broadcast_in_dim3A_6 : i32 to vector<16xi32>
    %parallel_loop3A = arith.constant 0 : i32
    %parallel_loop3A_8 = arith.constant 256 : i32
    %parallel_loop3A_9 = arith.constant 1 : i32
    scf.for %parallel_loop3A_61 = %parallel_loop3A to %parallel_loop3A_8 step %parallel_loop3A_9  : i32 {
      %parallel_loop3A_62 = arith.constant 16 : i32
      %parallel_loop3A_63 = arith.muli %parallel_loop3A_61, %parallel_loop3A_62 : i32
      %parallel_loop3A_64 = arith.index_cast %parallel_loop3A_63 : i32 to index
      %parallel_loop3A_65 = tpu.vector_load %arg5[%parallel_loop3A_64] {strides = array<i32>} : memref<4096xi32, #tpu.memory_space<vmem>>, vector<16xi32>,
      tpu.vector_store %arg5[%parallel_loop3A_64], %broadcast_in_dim3A_7 {strides = array<i32>} : memref<4096xi32, #tpu.memory_space<vmem>>, vector<16xi32>,
    } {sc.loop_unroll_factor = 8 : i64, sc.parallel_access}
    %parallel_loop3A_10 = arith.constant 0 : i32
    %parallel_loop3A_11 = arith.constant 2048 : i32
    %parallel_loop3A_12 = arith.constant 1 : i32
    scf.for %parallel_loop3A_61 = %parallel_loop3A_10 to %parallel_loop3A_11 step %parallel_loop3A_12  : i32 {
      %parallel_loop3A_62 = arith.index_cast %parallel_loop3A_61 : i32 to index
      %parallel_loop3A_63 = arith.constant 0 : index
      %parallel_loop3A_64 = tpu.vector_load %arg4[%parallel_loop3A_62, %parallel_loop3A_63] {strides = array<i32>} : memref<2048x16xi32, #tpu.memory_space<vmem>>, vector<16xi32>,
      %parallel_loop3A_65 = arith.constant 24 : i32
      %parallel_loop3A_66 = vector.broadcast %parallel_loop3A_65 : i32 to vector<16xi32>
      %parallel_loop3A_67 = arith.shrsi %parallel_loop3A_64, %parallel_loop3A_66 : vector<16xi32>
      %parallel_loop3A_68 = arith.constant 255 : i32
      %parallel_loop3A_69 = vector.broadcast %parallel_loop3A_68 : i32 to vector<16xi32>
      %parallel_loop3A_70 = arith.andi %parallel_loop3A_67, %parallel_loop3A_69 : vector<16xi32>
      %parallel_loop3A_71 = arith.constant 16 : i32
      %parallel_loop3A_72 = vector.broadcast %parallel_loop3A_71 : i32 to vector<16xi32>
      %parallel_loop3A_73 = arith.muli %parallel_loop3A_70, %parallel_loop3A_72 : vector<16xi32>
      %parallel_loop3A_74 = arith.addi %parallel_loop3A_73, %iota3A : vector<16xi32>
      tpu.vector_store_idx %arg5[%parallel_loop3A_74], %broadcast_in_dim3A_5 {add = true} : memref<4096xi32, #tpu.memory_space<vmem>>[vector<16xi32>], vector<16xi32>,
    } {sc.loop_unroll_factor = 8 : i64, sc.parallel_access}
    %parallel_loop3A_13 = arith.constant 0 : i32
    %parallel_loop3A_14 = arith.constant 256 : i32
    %parallel_loop3A_15 = arith.constant 1 : i32
    %parallel_loop3A_16:3 = scf.for %parallel_loop3A_61 = %parallel_loop3A_13 to %parallel_loop3A_14 step %parallel_loop3A_15 iter_args(%parallel_loop3A_62 = %broadcast_in_dim3A_7, %parallel_loop3A_63 = %broadcast_in_dim3A_7, %parallel_loop3A_64 = %broadcast_in_dim3A_7) -> (vector<16xi32>, vector<16xi32>, vector<16xi32>)  : i32 {
      %parallel_loop3A_65 = arith.constant 16 : i32
      %parallel_loop3A_66 = arith.muli %parallel_loop3A_61, %parallel_loop3A_65 : i32
      %parallel_loop3A_67 = arith.index_cast %parallel_loop3A_66 : i32 to index
      %parallel_loop3A_68 = tpu.vector_load %arg5[%parallel_loop3A_67] {strides = array<i32>} : memref<4096xi32, #tpu.memory_space<vmem>>, vector<16xi32>,
      %parallel_loop3A_69 = arith.addi %parallel_loop3A_62, %parallel_loop3A_68 : vector<16xi32>
      %parallel_loop3A_70 = arith.cmpi slt, %parallel_loop3A_62, %broadcast_in_dim3A_3 : vector<16xi32>
      %parallel_loop3A_71 = arith.cmpi sge, %parallel_loop3A_69, %broadcast_in_dim3A_3 : vector<16xi32>
      %parallel_loop3A_72 = arith.andi %parallel_loop3A_70, %parallel_loop3A_71 : vector<16xi1>
      %parallel_loop3A_73 = vector.broadcast %parallel_loop3A_61 : i32 to vector<16xi32>
      %parallel_loop3A_74 = arith.select %parallel_loop3A_72, %parallel_loop3A_73, %parallel_loop3A_63 : vector<16xi1>, vector<16xi32>
      %parallel_loop3A_75 = arith.select %parallel_loop3A_72, %parallel_loop3A_62, %parallel_loop3A_64 : vector<16xi1>, vector<16xi32>
      scf.yield %parallel_loop3A_69, %parallel_loop3A_74, %parallel_loop3A_75 : vector<16xi32>, vector<16xi32>, vector<16xi32>
    } {sc.loop_unroll_factor = 8 : i64, sc.parallel_access}
    %sub3A = arith.subi %broadcast_in_dim3A_3, %parallel_loop3A_16#2 : vector<16xi32>
    %iota3A_17 = tpu.iota {dimensions = array<i32: 0>} : vector<16xi32>
    %broadcast_in_dim3A_18 = arith.constant 1 : i32
    %broadcast_in_dim3A_19 = vector.broadcast %broadcast_in_dim3A_18 : i32 to vector<16xi32>
    %broadcast_in_dim3A_20 = arith.constant 0 : i32
    %broadcast_in_dim3A_21 = vector.broadcast %broadcast_in_dim3A_20 : i32 to vector<16xi32>
    %parallel_loop3A_22 = arith.constant 0 : i32
    %parallel_loop3A_23 = arith.constant 256 : i32
    %parallel_loop3A_24 = arith.constant 1 : i32
    scf.for %parallel_loop3A_61 = %parallel_loop3A_22 to %parallel_loop3A_23 step %parallel_loop3A_24  : i32 {
      %parallel_loop3A_62 = arith.constant 16 : i32
      %parallel_loop3A_63 = arith.muli %parallel_loop3A_61, %parallel_loop3A_62 : i32
      %parallel_loop3A_64 = arith.index_cast %parallel_loop3A_63 : i32 to index
      %parallel_loop3A_65 = tpu.vector_load %arg5[%parallel_loop3A_64] {strides = array<i32>} : memref<4096xi32, #tpu.memory_space<vmem>>, vector<16xi32>,
      tpu.vector_store %arg5[%parallel_loop3A_64], %broadcast_in_dim3A_21 {strides = array<i32>} : memref<4096xi32, #tpu.memory_space<vmem>>, vector<16xi32>,
    } {sc.loop_unroll_factor = 8 : i64, sc.parallel_access}
    %parallel_loop3A_25 = arith.constant 0 : i32
    %parallel_loop3A_26 = arith.constant 2048 : i32
    %parallel_loop3A_27 = arith.constant 1 : i32
    scf.for %parallel_loop3A_61 = %parallel_loop3A_25 to %parallel_loop3A_26 step %parallel_loop3A_27  : i32 {
      %parallel_loop3A_62 = arith.index_cast %parallel_loop3A_61 : i32 to index
      %parallel_loop3A_63 = arith.constant 0 : index
      %parallel_loop3A_64 = tpu.vector_load %arg4[%parallel_loop3A_62, %parallel_loop3A_63] {strides = array<i32>} : memref<2048x16xi32, #tpu.memory_space<vmem>>, vector<16xi32>,
      %parallel_loop3A_65 = arith.constant 16 : i32
      %parallel_loop3A_66 = vector.broadcast %parallel_loop3A_65 : i32 to vector<16xi32>
      %parallel_loop3A_67 = arith.shrsi %parallel_loop3A_64, %parallel_loop3A_66 : vector<16xi32>
      %parallel_loop3A_68 = arith.constant 255 : i32
      %parallel_loop3A_69 = vector.broadcast %parallel_loop3A_68 : i32 to vector<16xi32>
      %parallel_loop3A_70 = arith.andi %parallel_loop3A_67, %parallel_loop3A_69 : vector<16xi32>
      %parallel_loop3A_71 = arith.constant 16 : i32
      %parallel_loop3A_72 = vector.broadcast %parallel_loop3A_71 : i32 to vector<16xi32>
      %parallel_loop3A_73 = arith.muli %parallel_loop3A_70, %parallel_loop3A_72 : vector<16xi32>
      %parallel_loop3A_74 = arith.addi %parallel_loop3A_73, %iota3A_17 : vector<16xi32>
      %parallel_loop3A_75 = arith.constant 24 : i32
      %parallel_loop3A_76 = vector.broadcast %parallel_loop3A_75 : i32 to vector<16xi32>
      %parallel_loop3A_77 = arith.shrsi %parallel_loop3A_64, %parallel_loop3A_76 : vector<16xi32>
      %parallel_loop3A_78 = arith.cmpi eq, %parallel_loop3A_77, %parallel_loop3A_16#1 : vector<16xi32>
      tpu.vector_store_idx %arg5[%parallel_loop3A_74], %broadcast_in_dim3A_19 masked %parallel_loop3A_78 {add = true} : memref<4096xi32, #tpu.memory_space<vmem>>[vector<16xi32>], vector<16xi32>, vector<16xi1>
    } {sc.loop_unroll_factor = 8 : i64, sc.parallel_access}
    %parallel_loop3A_28 = arith.constant 0 : i32
    %parallel_loop3A_29 = arith.constant 256 : i32
    %parallel_loop3A_30 = arith.constant 1 : i32
    %parallel_loop3A_31:3 = scf.for %parallel_loop3A_61 = %parallel_loop3A_28 to %parallel_loop3A_29 step %parallel_loop3A_30 iter_args(%parallel_loop3A_62 = %broadcast_in_dim3A_21, %parallel_loop3A_63 = %broadcast_in_dim3A_21, %parallel_loop3A_64 = %broadcast_in_dim3A_21) -> (vector<16xi32>, vector<16xi32>, vector<16xi32>)  : i32 {
      %parallel_loop3A_65 = arith.constant 16 : i32
      %parallel_loop3A_66 = arith.muli %parallel_loop3A_61, %parallel_loop3A_65 : i32
      %parallel_loop3A_67 = arith.index_cast %parallel_loop3A_66 : i32 to index
      %parallel_loop3A_68 = tpu.vector_load %arg5[%parallel_loop3A_67] {strides = array<i32>} : memref<4096xi32, #tpu.memory_space<vmem>>, vector<16xi32>,
      %parallel_loop3A_69 = arith.addi %parallel_loop3A_62, %parallel_loop3A_68 : vector<16xi32>
      %parallel_loop3A_70 = arith.cmpi slt, %parallel_loop3A_62, %sub3A : vector<16xi32>
      %parallel_loop3A_71 = arith.cmpi sge, %parallel_loop3A_69, %sub3A : vector<16xi32>
      %parallel_loop3A_72 = arith.andi %parallel_loop3A_70, %parallel_loop3A_71 : vector<16xi1>
      %parallel_loop3A_73 = vector.broadcast %parallel_loop3A_61 : i32 to vector<16xi32>
      %parallel_loop3A_74 = arith.select %parallel_loop3A_72, %parallel_loop3A_73, %parallel_loop3A_63 : vector<16xi1>, vector<16xi32>
      %parallel_loop3A_75 = arith.select %parallel_loop3A_72, %parallel_loop3A_62, %parallel_loop3A_64 : vector<16xi1>, vector<16xi32>
      scf.yield %parallel_loop3A_69, %parallel_loop3A_74, %parallel_loop3A_75 : vector<16xi32>, vector<16xi32>, vector<16xi32>
    } {sc.loop_unroll_factor = 8 : i64, sc.parallel_access}
    %mul3A_32 = arith.constant 256 : i32
    %mul3A_33 = vector.broadcast %mul3A_32 : i32 to vector<16xi32>
    %mul3A_34 = arith.muli %parallel_loop3A_16#1, %mul3A_33 : vector<16xi32>
    %add3A_35 = arith.addi %mul3A_34, %parallel_loop3A_31#1 : vector<16xi32>
    %sub3A_36 = arith.subi %broadcast_in_dim3A_3, %parallel_loop3A_16#2 : vector<16xi32>
    %sub3A_37 = arith.subi %sub3A_36, %parallel_loop3A_31#2 : vector<16xi32>
    %iota3A_38 = tpu.iota {dimensions = array<i32: 0>} : vector<16xi32>
    %broadcast_in_dim3A_39 = arith.constant 1 : i32
    %broadcast_in_dim3A_40 = vector.broadcast %broadcast_in_dim3A_39 : i32 to vector<16xi32>
    %broadcast_in_dim3A_41 = arith.constant 0 : i32
    %broadcast_in_dim3A_42 = vector.broadcast %broadcast_in_dim3A_41 : i32 to vector<16xi32>
    %parallel_loop3A_43 = arith.constant 0 : i32
    %parallel_loop3A_44 = arith.constant 256 : i32
    %parallel_loop3A_45 = arith.constant 1 : i32
    scf.for %parallel_loop3A_61 = %parallel_loop3A_43 to %parallel_loop3A_44 step %parallel_loop3A_45  : i32 {
      %parallel_loop3A_62 = arith.constant 16 : i32
      %parallel_loop3A_63 = arith.muli %parallel_loop3A_61, %parallel_loop3A_62 : i32
      %parallel_loop3A_64 = arith.index_cast %parallel_loop3A_63 : i32 to index
      %parallel_loop3A_65 = tpu.vector_load %arg5[%parallel_loop3A_64] {strides = array<i32>} : memref<4096xi32, #tpu.memory_space<vmem>>, vector<16xi32>,
      tpu.vector_store %arg5[%parallel_loop3A_64], %broadcast_in_dim3A_42 {strides = array<i32>} : memref<4096xi32, #tpu.memory_space<vmem>>, vector<16xi32>,
    } {sc.loop_unroll_factor = 8 : i64, sc.parallel_access}
    %parallel_loop3A_46 = arith.constant 0 : i32
    %parallel_loop3A_47 = arith.constant 2048 : i32
    %parallel_loop3A_48 = arith.constant 1 : i32
    scf.for %parallel_loop3A_61 = %parallel_loop3A_46 to %parallel_loop3A_47 step %parallel_loop3A_48  : i32 {
      %parallel_loop3A_62 = arith.index_cast %parallel_loop3A_61 : i32 to index
      %parallel_loop3A_63 = arith.constant 0 : index
      %parallel_loop3A_64 = tpu.vector_load %arg4[%parallel_loop3A_62, %parallel_loop3A_63] {strides = array<i32>} : memref<2048x16xi32, #tpu.memory_space<vmem>>, vector<16xi32>,
      %parallel_loop3A_65 = arith.constant 8 : i32
      %parallel_loop3A_66 = vector.broadcast %parallel_loop3A_65 : i32 to vector<16xi32>
      %parallel_loop3A_67 = arith.shrsi %parallel_loop3A_64, %parallel_loop3A_66 : vector<16xi32>
      %parallel_loop3A_68 = arith.constant 255 : i32
      %parallel_loop3A_69 = vector.broadcast %parallel_loop3A_68 : i32 to vector<16xi32>
      %parallel_loop3A_70 = arith.andi %parallel_loop3A_67, %parallel_loop3A_69 : vector<16xi32>
      %parallel_loop3A_71 = arith.constant 16 : i32
      %parallel_loop3A_72 = vector.broadcast %parallel_loop3A_71 : i32 to vector<16xi32>
      %parallel_loop3A_73 = arith.muli %parallel_loop3A_70, %parallel_loop3A_72 : vector<16xi32>
      %parallel_loop3A_74 = arith.addi %parallel_loop3A_73, %iota3A_38 : vector<16xi32>
      %parallel_loop3A_75 = arith.constant 16 : i32
      %parallel_loop3A_76 = vector.broadcast %parallel_loop3A_75 : i32 to vector<16xi32>
      %parallel_loop3A_77 = arith.shrsi %parallel_loop3A_64, %parallel_loop3A_76 : vector<16xi32>
      %parallel_loop3A_78 = arith.cmpi eq, %parallel_loop3A_77, %add3A_35 : vector<16xi32>
      tpu.vector_store_idx %arg5[%parallel_loop3A_74], %broadcast_in_dim3A_40 masked %parallel_loop3A_78 {add = true} : memref<4096xi32, #tpu.memory_space<vmem>>[vector<16xi32>], vector<16xi32>, vector<16xi1>
    } {sc.loop_unroll_factor = 8 : i64, sc.parallel_access}
    %parallel_loop3A_49 = arith.constant 0 : i32
    %parallel_loop3A_50 = arith.constant 256 : i32
    %parallel_loop3A_51 = arith.constant 1 : i32
    %parallel_loop3A_52:3 = scf.for %parallel_loop3A_61 = %parallel_loop3A_49 to %parallel_loop3A_50 step %parallel_loop3A_51 iter_args(%parallel_loop3A_62 = %broadcast_in_dim3A_42, %parallel_loop3A_63 = %broadcast_in_dim3A_42, %parallel_loop3A_64 = %broadcast_in_dim3A_42) -> (vector<16xi32>, vector<16xi32>, vector<16xi32>)  : i32 {
      %parallel_loop3A_65 = arith.constant 16 : i32
      %parallel_loop3A_66 = arith.muli %parallel_loop3A_61, %parallel_loop3A_65 : i32
      %parallel_loop3A_67 = arith.index_cast %parallel_loop3A_66 : i32 to index
      %parallel_loop3A_68 = tpu.vector_load %arg5[%parallel_loop3A_67] {strides = array<i32>} : memref<4096xi32, #tpu.memory_space<vmem>>, vector<16xi32>,
      %parallel_loop3A_69 = arith.addi %parallel_loop3A_62, %parallel_loop3A_68 : vector<16xi32>
      %parallel_loop3A_70 = arith.cmpi slt, %parallel_loop3A_62, %sub3A_37 : vector<16xi32>
      %parallel_loop3A_71 = arith.cmpi sge, %parallel_loop3A_69, %sub3A_37 : vector<16xi32>
      %parallel_loop3A_72 = arith.andi %parallel_loop3A_70, %parallel_loop3A_71 : vector<16xi1>
      %parallel_loop3A_73 = vector.broadcast %parallel_loop3A_61 : i32 to vector<16xi32>
      %parallel_loop3A_74 = arith.select %parallel_loop3A_72, %parallel_loop3A_73, %parallel_loop3A_63 : vector<16xi1>, vector<16xi32>
      %parallel_loop3A_75 = arith.select %parallel_loop3A_72, %parallel_loop3A_62, %parallel_loop3A_64 : vector<16xi1>, vector<16xi32>
      scf.yield %parallel_loop3A_69, %parallel_loop3A_74, %parallel_loop3A_75 : vector<16xi32>, vector<16xi32>, vector<16xi32>
    } {sc.loop_unroll_factor = 8 : i64, sc.parallel_access}
    %mul3A_53 = arith.constant 256 : i32
    %mul3A_54 = vector.broadcast %mul3A_53 : i32 to vector<16xi32>
    %mul3A_55 = arith.muli %add3A_35, %mul3A_54 : vector<16xi32>
    %add3A_56 = arith.addi %mul3A_55, %parallel_loop3A_52#1 : vector<16xi32>
    %mul3A_57 = arith.constant 256 : i32
    %mul3A_58 = vector.broadcast %mul3A_57 : i32 to vector<16xi32>
    %mul3A_59 = arith.muli %add3A_56, %mul3A_58 : vector<16xi32>
    %swap3A = arith.constant 0 : index
    %swap3A_60 = tpu.vector_load %arg6[%swap3A] {strides = array<i32>} : memref<16xi32, #tpu.memory_space<vmem>>, vector<16xi32>,
    tpu.vector_store %arg6[%swap3A], %mul3A_59 {strides = array<i32>} : memref<16xi32, #tpu.memory_space<vmem>>, vector<16xi32>,
    "tpu.region"() ({
      %run_scoped3A = tpu.sem_alloc : memref<!tpu.dma_semaphore, #tpu.memory_space<semaphore_mem>>
      %dma_start3A = tpu.memref_slice %arg3[%mul3A_2] : memref<512xi32, #tpu.memory_space<hbm>> -> memref<16xi32, #tpu.memory_space<hbm>>
      %dma_start3A_61 = tpu.memref_slice %arg3[%mul3A_2] : memref<512xi32, #tpu.memory_space<hbm>> -> memref<16xi32, #tpu.memory_space<hbm>>
      tpu.enqueue_dma source(%arg6 : memref<16xi32, #tpu.memory_space<vmem>>) target(%dma_start3A_61 : memref<16xi32, #tpu.memory_space<hbm>>) target_semaphore(%run_scoped3A : memref<!tpu.dma_semaphore, #tpu.memory_space<semaphore_mem>>)
      %dma_wait3A = tpu.memref_slice %arg3[%mul3A_2] : memref<512xi32, #tpu.memory_space<hbm>> -> memref<16xi32, #tpu.memory_space<hbm>>
      %dma_wait3A_62 = tpu.memref_slice %arg3[%mul3A_2] : memref<512xi32, #tpu.memory_space<hbm>> -> memref<16xi32, #tpu.memory_space<hbm>>
      tpu.wait_dma2 semaphore(%run_scoped3A : memref<!tpu.dma_semaphore, #tpu.memory_space<semaphore_mem>>) src(%arg6 : memref<16xi32, #tpu.memory_space<vmem>>) dst(%dma_wait3A_62 : memref<16xi32, #tpu.memory_space<hbm>>)
      tpu.yield
    }) : () -> ()
    return
  }
}

module attributes {stable_mosaic.version = 14 : i64} {
  func.func @_dist_kernel(%arg0: memref<512x256xf32, #tpu.memory_space<vmem>>, %arg1: memref<256x64xf32, #tpu.memory_space<vmem>>, %arg2: memref<1x64xf32, #tpu.memory_space<vmem>>, %arg3: memref<64x64xf32, #tpu.memory_space<vmem>>, %arg4: memref<1x64xf32, #tpu.memory_space<vmem>>, %arg5: memref<64x64xf32, #tpu.memory_space<vmem>>, %arg6: memref<1x64xf32, #tpu.memory_space<vmem>>, %arg7: memref<2048x256xf32, #tpu.memory_space<vmem>>, %arg8: memref<2048x512xi32, #tpu.memory_space<vmem>>) attributes {dimension_semantics = [], scalar_prefetch = 0 : i64, scratch_operands = 0 : i64, tpu.core_type = #tpu.core_type<tc>} {
    %get3A = arith.constant 0 : index
    %get3A_0 = arith.constant 0 : index
    %get3A_1 = vector.load %arg1[%get3A, %get3A_0] : memref<256x64xf32, #tpu.memory_space<vmem>>, vector<256x64xf32>
    %get3A_2 = arith.constant 0 : index
    %get3A_3 = arith.constant 0 : index
    %get3A_4 = vector.load %arg2[%get3A_2, %get3A_3] : memref<1x64xf32, #tpu.memory_space<vmem>>, vector<1x64xf32>
    %get3A_5 = arith.constant 0 : index
    %get3A_6 = arith.constant 0 : index
    %get3A_7 = vector.load %arg3[%get3A_5, %get3A_6] : memref<64x64xf32, #tpu.memory_space<vmem>>, vector<64x64xf32>
    %get3A_8 = arith.constant 0 : index
    %get3A_9 = arith.constant 0 : index
    %get3A_10 = vector.load %arg4[%get3A_8, %get3A_9] : memref<1x64xf32, #tpu.memory_space<vmem>>, vector<1x64xf32>
    %get3A_11 = arith.constant 0 : index
    %get3A_12 = arith.constant 0 : index
    %get3A_13 = vector.load %arg5[%get3A_11, %get3A_12] : memref<64x64xf32, #tpu.memory_space<vmem>>, vector<64x64xf32>
    %get3A_14 = arith.constant 0 : index
    %get3A_15 = arith.constant 0 : index
    %get3A_16 = vector.load %arg6[%get3A_14, %get3A_15] : memref<1x64xf32, #tpu.memory_space<vmem>>, vector<1x64xf32>
    %get3A_17 = arith.constant 0 : index
    %get3A_18 = arith.constant 0 : index
    %get3A_19 = vector.load %arg0[%get3A_17, %get3A_18] : memref<512x256xf32, #tpu.memory_space<vmem>>, vector<512x256xf32>
    %convert_element_type3A = arith.truncf %get3A_19 : vector<512x256xf32> to vector<512x256xbf16>
    %convert_element_type3A_20 = arith.truncf %get3A_1 : vector<256x64xf32> to vector<256x64xbf16>
    %dot_general3A = arith.constant dense<0.000000e+00> : vector<512x64xf32>
    %dot_general3A_21 = tpu.matmul %convert_element_type3A, %convert_element_type3A_20, %dot_general3A {dimension_numbers = #tpu.dot_dimension_numbers<[1], [0], [0], [1], [0, 0, 1, 1], [], []>, transpose_lhs_hint = false} : vector<512x256xbf16>, vector<256x64xbf16>, vector<512x64xf32> -> vector<512x64xf32>
    %add3A = vector.broadcast %get3A_4 : vector<1x64xf32> to vector<512x64xf32>
    %add3A_22 = arith.addf %dot_general3A_21, %add3A : vector<512x64xf32>
    %integer_pow3A = arith.mulf %add3A_22, %add3A_22 : vector<512x64xf32>
    %integer_pow3A_23 = arith.mulf %add3A_22, %integer_pow3A : vector<512x64xf32>
    %mul3A = arith.constant 4.471500e-02 : f32
    %mul3A_24 = vector.broadcast %mul3A : f32 to vector<512x64xf32>
    %mul3A_25 = arith.mulf %mul3A_24, %integer_pow3A_23 : vector<512x64xf32>
    %add3A_26 = arith.addf %add3A_22, %mul3A_25 : vector<512x64xf32>
    %mul3A_27 = arith.constant 0.797884583 : f32
    %mul3A_28 = vector.broadcast %mul3A_27 : f32 to vector<512x64xf32>
    %mul3A_29 = arith.mulf %mul3A_28, %add3A_26 : vector<512x64xf32>
    %tanh3A = math.tanh %mul3A_29 : vector<512x64xf32>
    %add3A_30 = arith.constant 1.000000e+00 : f32
    %add3A_31 = vector.broadcast %add3A_30 : f32 to vector<512x64xf32>
    %add3A_32 = arith.addf %add3A_31, %tanh3A : vector<512x64xf32>
    %mul3A_33 = arith.constant 5.000000e-01 : f32
    %mul3A_34 = vector.broadcast %mul3A_33 : f32 to vector<512x64xf32>
    %mul3A_35 = arith.mulf %mul3A_34, %add3A_32 : vector<512x64xf32>
    %mul3A_36 = arith.mulf %add3A_22, %mul3A_35 : vector<512x64xf32>
    %convert_element_type3A_37 = arith.truncf %mul3A_36 : vector<512x64xf32> to vector<512x64xbf16>
    %convert_element_type3A_38 = arith.truncf %get3A_7 : vector<64x64xf32> to vector<64x64xbf16>
    %dot_general3A_39 = arith.constant dense<0.000000e+00> : vector<512x64xf32>
    %dot_general3A_40 = tpu.matmul %convert_element_type3A_37, %convert_element_type3A_38, %dot_general3A_39 {dimension_numbers = #tpu.dot_dimension_numbers<[1], [0], [0], [1], [0, 0, 1, 1], [], []>, transpose_lhs_hint = false} : vector<512x64xbf16>, vector<64x64xbf16>, vector<512x64xf32> -> vector<512x64xf32>
    %add3A_41 = vector.broadcast %get3A_10 : vector<1x64xf32> to vector<512x64xf32>
    %add3A_42 = arith.addf %dot_general3A_40, %add3A_41 : vector<512x64xf32>
    %integer_pow3A_43 = arith.mulf %add3A_42, %add3A_42 : vector<512x64xf32>
    %integer_pow3A_44 = arith.mulf %add3A_42, %integer_pow3A_43 : vector<512x64xf32>
    %mul3A_45 = arith.constant 4.471500e-02 : f32
    %mul3A_46 = vector.broadcast %mul3A_45 : f32 to vector<512x64xf32>
    %mul3A_47 = arith.mulf %mul3A_46, %integer_pow3A_44 : vector<512x64xf32>
    %add3A_48 = arith.addf %add3A_42, %mul3A_47 : vector<512x64xf32>
    %mul3A_49 = arith.constant 0.797884583 : f32
    %mul3A_50 = vector.broadcast %mul3A_49 : f32 to vector<512x64xf32>
    %mul3A_51 = arith.mulf %mul3A_50, %add3A_48 : vector<512x64xf32>
    %tanh3A_52 = math.tanh %mul3A_51 : vector<512x64xf32>
    %add3A_53 = arith.constant 1.000000e+00 : f32
    %add3A_54 = vector.broadcast %add3A_53 : f32 to vector<512x64xf32>
    %add3A_55 = arith.addf %add3A_54, %tanh3A_52 : vector<512x64xf32>
    %mul3A_56 = arith.constant 5.000000e-01 : f32
    %mul3A_57 = vector.broadcast %mul3A_56 : f32 to vector<512x64xf32>
    %mul3A_58 = arith.mulf %mul3A_57, %add3A_55 : vector<512x64xf32>
    %mul3A_59 = arith.mulf %add3A_42, %mul3A_58 : vector<512x64xf32>
    %convert_element_type3A_60 = arith.truncf %mul3A_59 : vector<512x64xf32> to vector<512x64xbf16>
    %convert_element_type3A_61 = arith.truncf %get3A_13 : vector<64x64xf32> to vector<64x64xbf16>
    %dot_general3A_62 = arith.constant dense<0.000000e+00> : vector<512x64xf32>
    %dot_general3A_63 = tpu.matmul %convert_element_type3A_60, %convert_element_type3A_61, %dot_general3A_62 {dimension_numbers = #tpu.dot_dimension_numbers<[1], [0], [0], [1], [0, 0, 1, 1], [], []>, transpose_lhs_hint = false} : vector<512x64xbf16>, vector<64x64xbf16>, vector<512x64xf32> -> vector<512x64xf32>
    %add3A_64 = vector.broadcast %get3A_16 : vector<1x64xf32> to vector<512x64xf32>
    %add3A_65 = arith.addf %dot_general3A_63, %add3A_64 : vector<512x64xf32>
    %logistic3A = arith.negf %add3A_65 : vector<512x64xf32>
    %logistic3A_66 = math.exp %logistic3A : vector<512x64xf32>
    %logistic3A_67 = arith.constant 1.000000e+00 : f32
    %logistic3A_68 = vector.broadcast %logistic3A_67 : f32 to vector<512x64xf32>
    %logistic3A_69 = arith.addf %logistic3A_68, %logistic3A_66 : vector<512x64xf32>
    %logistic3A_70 = arith.divf %logistic3A_68, %logistic3A_69 : vector<512x64xf32>
    %get3A_71 = arith.constant 0 : index
    %get3A_72 = arith.constant 0 : index
    %get3A_73 = vector.load %arg7[%get3A_71, %get3A_72] : memref<2048x256xf32, #tpu.memory_space<vmem>>, vector<2048x256xf32>
    %convert_element_type3A_74 = arith.truncf %get3A_73 : vector<2048x256xf32> to vector<2048x256xbf16>
    %convert_element_type3A_75 = arith.truncf %get3A_1 : vector<256x64xf32> to vector<256x64xbf16>
    %dot_general3A_76 = arith.constant dense<0.000000e+00> : vector<2048x64xf32>
    %dot_general3A_77 = tpu.matmul %convert_element_type3A_74, %convert_element_type3A_75, %dot_general3A_76 {dimension_numbers = #tpu.dot_dimension_numbers<[1], [0], [0], [1], [0, 0, 1, 1], [], []>, transpose_lhs_hint = false} : vector<2048x256xbf16>, vector<256x64xbf16>, vector<2048x64xf32> -> vector<2048x64xf32>
    %add3A_78 = vector.broadcast %get3A_4 : vector<1x64xf32> to vector<2048x64xf32>
    %add3A_79 = arith.addf %dot_general3A_77, %add3A_78 : vector<2048x64xf32>
    %integer_pow3A_80 = arith.mulf %add3A_79, %add3A_79 : vector<2048x64xf32>
    %integer_pow3A_81 = arith.mulf %add3A_79, %integer_pow3A_80 : vector<2048x64xf32>
    %mul3A_82 = arith.constant 4.471500e-02 : f32
    %mul3A_83 = vector.broadcast %mul3A_82 : f32 to vector<2048x64xf32>
    %mul3A_84 = arith.mulf %mul3A_83, %integer_pow3A_81 : vector<2048x64xf32>
    %add3A_85 = arith.addf %add3A_79, %mul3A_84 : vector<2048x64xf32>
    %mul3A_86 = arith.constant 0.797884583 : f32
    %mul3A_87 = vector.broadcast %mul3A_86 : f32 to vector<2048x64xf32>
    %mul3A_88 = arith.mulf %mul3A_87, %add3A_85 : vector<2048x64xf32>
    %tanh3A_89 = math.tanh %mul3A_88 : vector<2048x64xf32>
    %add3A_90 = arith.constant 1.000000e+00 : f32
    %add3A_91 = vector.broadcast %add3A_90 : f32 to vector<2048x64xf32>
    %add3A_92 = arith.addf %add3A_91, %tanh3A_89 : vector<2048x64xf32>
    %mul3A_93 = arith.constant 5.000000e-01 : f32
    %mul3A_94 = vector.broadcast %mul3A_93 : f32 to vector<2048x64xf32>
    %mul3A_95 = arith.mulf %mul3A_94, %add3A_92 : vector<2048x64xf32>
    %mul3A_96 = arith.mulf %add3A_79, %mul3A_95 : vector<2048x64xf32>
    %convert_element_type3A_97 = arith.truncf %mul3A_96 : vector<2048x64xf32> to vector<2048x64xbf16>
    %convert_element_type3A_98 = arith.truncf %get3A_7 : vector<64x64xf32> to vector<64x64xbf16>
    %dot_general3A_99 = arith.constant dense<0.000000e+00> : vector<2048x64xf32>
    %dot_general3A_100 = tpu.matmul %convert_element_type3A_97, %convert_element_type3A_98, %dot_general3A_99 {dimension_numbers = #tpu.dot_dimension_numbers<[1], [0], [0], [1], [0, 0, 1, 1], [], []>, transpose_lhs_hint = false} : vector<2048x64xbf16>, vector<64x64xbf16>, vector<2048x64xf32> -> vector<2048x64xf32>
    %add3A_101 = vector.broadcast %get3A_10 : vector<1x64xf32> to vector<2048x64xf32>
    %add3A_102 = arith.addf %dot_general3A_100, %add3A_101 : vector<2048x64xf32>
    %integer_pow3A_103 = arith.mulf %add3A_102, %add3A_102 : vector<2048x64xf32>
    %integer_pow3A_104 = arith.mulf %add3A_102, %integer_pow3A_103 : vector<2048x64xf32>
    %mul3A_105 = arith.constant 4.471500e-02 : f32
    %mul3A_106 = vector.broadcast %mul3A_105 : f32 to vector<2048x64xf32>
    %mul3A_107 = arith.mulf %mul3A_106, %integer_pow3A_104 : vector<2048x64xf32>
    %add3A_108 = arith.addf %add3A_102, %mul3A_107 : vector<2048x64xf32>
    %mul3A_109 = arith.constant 0.797884583 : f32
    %mul3A_110 = vector.broadcast %mul3A_109 : f32 to vector<2048x64xf32>
    %mul3A_111 = arith.mulf %mul3A_110, %add3A_108 : vector<2048x64xf32>
    %tanh3A_112 = math.tanh %mul3A_111 : vector<2048x64xf32>
    %add3A_113 = arith.constant 1.000000e+00 : f32
    %add3A_114 = vector.broadcast %add3A_113 : f32 to vector<2048x64xf32>
    %add3A_115 = arith.addf %add3A_114, %tanh3A_112 : vector<2048x64xf32>
    %mul3A_116 = arith.constant 5.000000e-01 : f32
    %mul3A_117 = vector.broadcast %mul3A_116 : f32 to vector<2048x64xf32>
    %mul3A_118 = arith.mulf %mul3A_117, %add3A_115 : vector<2048x64xf32>
    %mul3A_119 = arith.mulf %add3A_102, %mul3A_118 : vector<2048x64xf32>
    %convert_element_type3A_120 = arith.truncf %mul3A_119 : vector<2048x64xf32> to vector<2048x64xbf16>
    %convert_element_type3A_121 = arith.truncf %get3A_13 : vector<64x64xf32> to vector<64x64xbf16>
    %dot_general3A_122 = arith.constant dense<0.000000e+00> : vector<2048x64xf32>
    %dot_general3A_123 = tpu.matmul %convert_element_type3A_120, %convert_element_type3A_121, %dot_general3A_122 {dimension_numbers = #tpu.dot_dimension_numbers<[1], [0], [0], [1], [0, 0, 1, 1], [], []>, transpose_lhs_hint = false} : vector<2048x64xbf16>, vector<64x64xbf16>, vector<2048x64xf32> -> vector<2048x64xf32>
    %add3A_124 = vector.broadcast %get3A_16 : vector<1x64xf32> to vector<2048x64xf32>
    %add3A_125 = arith.addf %dot_general3A_123, %add3A_124 : vector<2048x64xf32>
    %logistic3A_126 = arith.negf %add3A_125 : vector<2048x64xf32>
    %logistic3A_127 = math.exp %logistic3A_126 : vector<2048x64xf32>
    %logistic3A_128 = arith.constant 1.000000e+00 : f32
    %logistic3A_129 = vector.broadcast %logistic3A_128 : f32 to vector<2048x64xf32>
    %logistic3A_130 = arith.addf %logistic3A_129, %logistic3A_127 : vector<2048x64xf32>
    %logistic3A_131 = arith.divf %logistic3A_129, %logistic3A_130 : vector<2048x64xf32>
    %mul3A_132 = arith.mulf %logistic3A_131, %logistic3A_131 : vector<2048x64xf32>
    %reduce_sum3A = arith.constant dense<0.000000e+00> : vector<2048xf32>
    %reduce_sum3A_133 = vector.multi_reduction <add>, %mul3A_132, %reduce_sum3A [1] : vector<2048x64xf32> to vector<2048xf32>
    %broadcast_in_dim3A = vector.shape_cast %reduce_sum3A_133 : vector<2048xf32> to vector<2048x1xf32>
    %broadcast_in_dim3A_134 = arith.constant 1.000000e+00 : f32
    %broadcast_in_dim3A_135 = vector.broadcast %broadcast_in_dim3A_134 : f32 to vector<1x64xf32>
    %mul3A_136 = arith.mulf %logistic3A_70, %logistic3A_70 : vector<512x64xf32>
    %dot_general3A_137 = arith.constant dense<0.000000e+00> : vector<1x512xf32>
    %dot_general3A_138 = tpu.matmul %broadcast_in_dim3A_135, %mul3A_136, %dot_general3A_137 {dimension_numbers = #tpu.dot_dimension_numbers<[1], [1], [0], [0], [0, 0, 1, 0], [], []>, precision = #tpu.contract_precision<fp32>, transpose_lhs_hint = false} : vector<1x64xf32>, vector<512x64xf32>, vector<1x512xf32> -> vector<1x512xf32>
    %convert_element_type3A_139 = arith.truncf %logistic3A_131 : vector<2048x64xf32> to vector<2048x64xbf16>
    %convert_element_type3A_140 = arith.truncf %logistic3A_70 : vector<512x64xf32> to vector<512x64xbf16>
    %dot_general3A_141 = arith.constant dense<0.000000e+00> : vector<2048x512xf32>
    %dot_general3A_142 = tpu.matmul %convert_element_type3A_139, %convert_element_type3A_140, %dot_general3A_141 {dimension_numbers = #tpu.dot_dimension_numbers<[1], [1], [0], [0], [0, 0, 1, 0], [], []>, transpose_lhs_hint = false} : vector<2048x64xbf16>, vector<512x64xbf16>, vector<2048x512xf32> -> vector<2048x512xf32>
    %add3A_143 = vector.broadcast %dot_general3A_138 : vector<1x512xf32> to vector<2048x512xf32>
    %add3A_144 = vector.broadcast %broadcast_in_dim3A : vector<2048x1xf32> to vector<2048x512xf32>
    %add3A_145 = arith.addf %add3A_143, %add3A_144 : vector<2048x512xf32>
    %mul3A_146 = arith.constant 2.000000e+00 : f32
    %mul3A_147 = vector.broadcast %mul3A_146 : f32 to vector<2048x512xf32>
    %mul3A_148 = arith.mulf %mul3A_147, %dot_general3A_142 : vector<2048x512xf32>
    %sub3A = arith.subf %add3A_145, %mul3A_148 : vector<2048x512xf32>
    %max3A = arith.constant 0.000000e+00 : f32
    %max3A_149 = vector.broadcast %max3A : f32 to vector<2048x512xf32>
    %max3A_150 = arith.maximumf %sub3A, %max3A_149 : vector<2048x512xf32>
    %sqrt3A = math.sqrt %max3A_150 : vector<2048x512xf32>
    %le3A = arith.constant 2.000000e-03 : f32
    %le3A_151 = vector.broadcast %le3A : f32 to vector<2048x512xf32>
    %le3A_152 = arith.cmpf ole, %sub3A, %le3A_151 : vector<2048x512xf32>
    %jit3A = arith.constant 0x7F800000 : f32
    %broadcast_in_dim3A_153 = vector.broadcast %jit3A : f32 to vector<2048x512xf32>
    %select_n3A = arith.select %le3A_152, %broadcast_in_dim3A_153, %sqrt3A : vector<2048x512xi1>, vector<2048x512xf32>
    %bitcast_convert_type3A = tpu.bitcast %select_n3A : vector<2048x512xf32> -> vector<2048x512xi32>
    %swap3A = arith.constant 0 : index
    %swap3A_154 = arith.constant 0 : index
    %swap3A_155 = vector.load %arg8[%swap3A, %swap3A_154] : memref<2048x512xi32, #tpu.memory_space<vmem>>, vector<2048x512xi32>
    tpu.vector_store %arg8[%swap3A, %swap3A_154], %bitcast_convert_type3A {strides = array<i32>} : memref<2048x512xi32, #tpu.memory_space<vmem>>, vector<2048x512xi32>,
    return
  }
}

module attributes {stable_mosaic.version = 14 : i64} {
  func.func @_weight_kernel(%arg0: memref<2048x512xi32, #tpu.memory_space<vmem>>, %arg1: memref<1x512xi32, #tpu.memory_space<vmem>>, %arg2: memref<2048x1xf32, #tpu.memory_space<vmem>>, %arg3: memref<1x512xf32, #tpu.memory_space<vmem>>) attributes {dimension_semantics = [], scalar_prefetch = 0 : i64, scratch_operands = 0 : i64, tpu.core_type = #tpu.core_type<tc>} {
    %get3A = arith.constant 0 : index
    %get3A_0 = arith.constant 0 : index
    %get3A_1 = vector.load %arg0[%get3A, %get3A_0] : memref<2048x512xi32, #tpu.memory_space<vmem>>, vector<2048x512xi32>
    %get3A_2 = arith.constant 0 : index
    %get3A_3 = arith.constant 0 : index
    %get3A_4 = vector.load %arg1[%get3A_2, %get3A_3] : memref<1x512xi32, #tpu.memory_space<vmem>>, vector<1x512xi32>
    %get3A_5 = arith.constant 0 : index
    %get3A_6 = arith.constant 0 : index
    %get3A_7 = vector.load %arg2[%get3A_5, %get3A_6] : memref<2048x1xf32, #tpu.memory_space<vmem>>, vector<2048x1xf32>
    %bitcast_convert_type3A = tpu.bitcast %get3A_1 : vector<2048x512xi32> -> vector<2048x512xf32>
    %reduce_min3A = arith.constant dense<0x7F800000> : vector<512xf32>
    %reduce_min3A_8 = vector.multi_reduction <minimumf>, %bitcast_convert_type3A, %reduce_min3A [0] : vector<2048x512xf32> to vector<512xf32>
    %broadcast_in_dim3A = vector.shape_cast %reduce_min3A_8 : vector<512xf32> to vector<1x512xf32>
    %lt3A = vector.broadcast %get3A_4 : vector<1x512xi32> to vector<2048x512xi32>
    %lt3A_9 = arith.cmpi slt, %get3A_1, %lt3A : vector<2048x512xi32>
    %not3A = arith.constant dense<true> : vector<2048x512xi1>
    %not3A_10 = arith.xori %lt3A_9, %not3A : vector<2048x512xi1>
    %add3A = arith.constant 256 : i32
    %add3A_11 = vector.broadcast %add3A : i32 to vector<1x512xi32>
    %add3A_12 = arith.addi %get3A_4, %add3A_11 : vector<1x512xi32>
    %lt3A_13 = vector.broadcast %add3A_12 : vector<1x512xi32> to vector<2048x512xi32>
    %lt3A_14 = arith.cmpi slt, %get3A_1, %lt3A_13 : vector<2048x512xi32>
    %and3A = arith.andi %not3A_10, %lt3A_14 : vector<2048x512xi1>
    %sub3A = vector.broadcast %broadcast_in_dim3A : vector<1x512xf32> to vector<2048x512xf32>
    %sub3A_15 = arith.subf %sub3A, %bitcast_convert_type3A : vector<2048x512xf32>
    %mul3A = arith.constant 1.000000e+01 : f32
    %mul3A_16 = vector.broadcast %mul3A : f32 to vector<2048x512xf32>
    %mul3A_17 = arith.mulf %sub3A_15, %mul3A_16 : vector<2048x512xf32>
    %exp3A = math.exp %mul3A_17 : vector<2048x512xf32>
    %mul3A_18 = vector.broadcast %get3A_7 : vector<2048x1xf32> to vector<2048x512xf32>
    %mul3A_19 = arith.mulf %exp3A, %mul3A_18 : vector<2048x512xf32>
    %convert_element_type3A = arith.extui %lt3A_9 : vector<2048x512xi1> to vector<2048x512xi32>
    %convert_element_type3A_20 = arith.sitofp %convert_element_type3A : vector<2048x512xi32> to vector<2048x512xf32>
    %reduce_sum3A = arith.constant dense<0.000000e+00> : vector<512xf32>
    %reduce_sum3A_21 = vector.multi_reduction <add>, %convert_element_type3A_20, %reduce_sum3A [0] : vector<2048x512xf32> to vector<512xf32>
    %broadcast_in_dim3A_22 = vector.shape_cast %reduce_sum3A_21 : vector<512xf32> to vector<1x512xf32>
    %convert_element_type3A_23 = arith.extui %and3A : vector<2048x512xi1> to vector<2048x512xi32>
    %convert_element_type3A_24 = arith.sitofp %convert_element_type3A_23 : vector<2048x512xi32> to vector<2048x512xf32>
    %reduce_sum3A_25 = arith.constant dense<0.000000e+00> : vector<512xf32>
    %reduce_sum3A_26 = vector.multi_reduction <add>, %convert_element_type3A_24, %reduce_sum3A_25 [0] : vector<2048x512xf32> to vector<512xf32>
    %broadcast_in_dim3A_27 = vector.shape_cast %reduce_sum3A_26 : vector<512xf32> to vector<1x512xf32>
    %sub3A_28 = arith.constant 3.200000e+01 : f32
    %sub3A_29 = vector.broadcast %sub3A_28 : f32 to vector<1x512xf32>
    %sub3A_30 = arith.subf %sub3A_29, %broadcast_in_dim3A_22 : vector<1x512xf32>
    %max3A = arith.constant 1.000000e+00 : f32
    %max3A_31 = vector.broadcast %max3A : f32 to vector<1x512xf32>
    %max3A_32 = arith.maximumf %broadcast_in_dim3A_27, %max3A_31 : vector<1x512xf32>
    %div3A = arith.divf %sub3A_30, %max3A_32 : vector<1x512xf32>
    %jit3A = arith.constant 0.000000e+00 : f32
    %broadcast_in_dim3A_33 = vector.broadcast %jit3A : f32 to vector<2048x512xf32>
    %select_n3A = arith.select %lt3A_9, %mul3A_19, %broadcast_in_dim3A_33 : vector<2048x512xi1>, vector<2048x512xf32>
    %reduce_sum3A_34 = arith.constant dense<0.000000e+00> : vector<512xf32>
    %reduce_sum3A_35 = vector.multi_reduction <add>, %select_n3A, %reduce_sum3A_34 [0] : vector<2048x512xf32> to vector<512xf32>
    %broadcast_in_dim3A_36 = vector.shape_cast %reduce_sum3A_35 : vector<512xf32> to vector<1x512xf32>
    %jit3A_37 = arith.constant 0.000000e+00 : f32
    %broadcast_in_dim3A_38 = vector.broadcast %jit3A_37 : f32 to vector<2048x512xf32>
    %select_n3A_39 = arith.select %and3A, %mul3A_19, %broadcast_in_dim3A_38 : vector<2048x512xi1>, vector<2048x512xf32>
    %reduce_sum3A_40 = arith.constant dense<0.000000e+00> : vector<512xf32>
    %reduce_sum3A_41 = vector.multi_reduction <add>, %select_n3A_39, %reduce_sum3A_40 [0] : vector<2048x512xf32> to vector<512xf32>
    %broadcast_in_dim3A_42 = vector.shape_cast %reduce_sum3A_41 : vector<512xf32> to vector<1x512xf32>
    %mul3A_43 = arith.mulf %div3A, %broadcast_in_dim3A_42 : vector<1x512xf32>
    %add3A_44 = arith.addf %broadcast_in_dim3A_36, %mul3A_43 : vector<1x512xf32>
    %jit3A_45 = arith.constant 0.000000e+00 : f32
    %broadcast_in_dim3A_46 = vector.broadcast %jit3A_45 : f32 to vector<2048x512xf32>
    %select_n3A_47 = arith.select %lt3A_9, %exp3A, %broadcast_in_dim3A_46 : vector<2048x512xi1>, vector<2048x512xf32>
    %reduce_sum3A_48 = arith.constant dense<0.000000e+00> : vector<512xf32>
    %reduce_sum3A_49 = vector.multi_reduction <add>, %select_n3A_47, %reduce_sum3A_48 [0] : vector<2048x512xf32> to vector<512xf32>
    %broadcast_in_dim3A_50 = vector.shape_cast %reduce_sum3A_49 : vector<512xf32> to vector<1x512xf32>
    %jit3A_51 = arith.constant 0.000000e+00 : f32
    %broadcast_in_dim3A_52 = vector.broadcast %jit3A_51 : f32 to vector<2048x512xf32>
    %select_n3A_53 = arith.select %and3A, %exp3A, %broadcast_in_dim3A_52 : vector<2048x512xi1>, vector<2048x512xf32>
    %reduce_sum3A_54 = arith.constant dense<0.000000e+00> : vector<512xf32>
    %reduce_sum3A_55 = vector.multi_reduction <add>, %select_n3A_53, %reduce_sum3A_54 [0] : vector<2048x512xf32> to vector<512xf32>
    %broadcast_in_dim3A_56 = vector.shape_cast %reduce_sum3A_55 : vector<512xf32> to vector<1x512xf32>
    %mul3A_57 = arith.mulf %div3A, %broadcast_in_dim3A_56 : vector<1x512xf32>
    %add3A_58 = arith.addf %broadcast_in_dim3A_50, %mul3A_57 : vector<1x512xf32>
    %div3A_59 = arith.divf %add3A_44, %add3A_58 : vector<1x512xf32>
    %swap3A = arith.constant 0 : index
    %swap3A_60 = arith.constant 0 : index
    %swap3A_61 = vector.load %arg3[%swap3A, %swap3A_60] : memref<1x512xf32, #tpu.memory_space<vmem>>, vector<1x512xf32>
    tpu.vector_store %arg3[%swap3A, %swap3A_60], %div3A_59 {strides = array<i32>} : memref<1x512xf32, #tpu.memory_space<vmem>>, vector<1x512xf32>,
    return
  }
}

</mosaic_0001>

<sc_bundles>
// kernel: kernel.5.cloned.1.call-start
scs
__scs_entry_jumppad:
0x0: {  	(pc) =	sbr.rel $0x88, $3  }
0x1: {  	(tag) =	ssettag $0x0;
	lr =	simm.s32 $0x1  }
0x2: {  	[smem:$0x3F98] =	sst lr;
	_ =	strace $0xD0000000  }
0x3: {  	_ = 	snop  }
0x4: {  	_ = 	snop  }
0x5: {  	_ = 	snop  }
0x6: {  	_ = 	snop  }
0x7: {  	_ = 	snop  }
__scs_overlays_trampoline_lowered:
0x8: {  	[smem:$0x3FA7] =	sst s0  }
0x9: {  	[smem:$0x3FA8] =	sst s1  }
0xa: {  	[smem:$0x3FA9] =	sst s2  }
0xb: {  	[smem:$0x3FAA] =	sst s3  }
0xc: {  	[smem:$0x3FAB] =	sst s4  }
0xd: {  	[smem:$0x3FAC] =	sst s5  }
0xe: {  	[smem:$0x3FAD] =	sst s6  }
0xf: {  	[smem:$0x3FAE] =	sst s7  }
0x10: {  	[smem:$0x3FAF] =	sst s8  }
0x11: {  	[smem:$0x3FB0] =	sst s9;
	s0 =	simm.s32 @!p0 $0x0  }
0x12: {  	s1 =	sld [smem:$0x3F96];
	s0 =	simm.s32 @p0 $0x1  }
0x13: {  	[smem:$0x3FB1] =	sst s0;
	s0 =	simm.s32 @!p1 $0x0  }
0x14: {  	s2 =	sld [smem:$0x3F95];
	s0 =	simm.s32 @p1 $0x1  }
0x15: {  	[smem:$0x3FB2] =	sst s0;
	s0 =	simm.s32 @!p2 $0x0  }
0x16: {  	s3 =	sld [smem:$0x3FDB];
	s0 =	simm.s32 @p2 $0x1  }
0x17: {  	s4 =	simm.s32 $0x1BF5;
	[smem:$0x3FB4] =	sst s0  }
0x18: {  	s0 =	sld [smem:$0x3F97];
	_ =	swait.ge [sflag:s4], $0x0  }
0x19: {  	s7 =	sld [smem:$0x3F98]  }
0x1a: {  	s8 =	sadd.s32 $0xFFFFE003, lr  }
0x1b: {  	s9 =	sadd.s32 $0xFFFFFEF7, lr;
	s5 =	simm.s32 $0xFFFFFFFF;
	p2 =	slt.u32 s8, $0xFFFFF086  }
0x1c: {  	p1 =	slt.u32 s9, $0xF7A;
	s5 =	simm.s32 @!p2 $0x0  }
0x1d: {  	s5 =	simm.s32 @p1 $0x1;
	p0 =	seq.s32 s7, s2  }
0x1e: {  	s7 =	smul.u32 @!p0 $0xF7A, s2;
	p2 =	seq.s32 @!p0 s5, $0x0  }
0x1f: {  	s9 =	smul.u32 $0xF7A, s1;
	s8 =	simm.s32 @!p0 $0x1BF5;
	p2 =	por !p2, p0  }
0x20: {  	[sflag:s8] =	ssyncset.s32 @!p0 $0xFFFFF086;
	s6 =	sadd.s32 @!p0 s3, s7;
	s7 =	simm.s32 @!p0 $0x108  }
0x21: {  	s3 =	sadd.s32 s3, s9;
	s6 =	sadd.s32 @!p0 $0x88, s6;
	s7 =	simm.s32 @p2 $0x1082  }
0x22: {  	[simem:s7], [sflag:s8] =	dma.local @!p0 [hbm:s6], $0xF7A  }
0x23: {  	s9 =	sor.u32 $0xD0000000, s2;
	s6 =	simm.s32 $0x108;
	_ =	swait.ge @!p0 [sflag:s8], $0x0  }
0x24: {  	s3 =	sadd.s32 $0x88, s3;
	s6 =	simm.s32 @!p1 $0x1082;
	[sflag:s4] =	ssyncset.s32 $0xFFFFF086  }
0x25: {  	[simem:s6], [sflag:s4] =	dma.local [hbm:s3], $0xF7A  }
0x26: {  	[smem:$0x3F98] =	sst s1;
	(tag) =	ssettag s2;
	_ =	strace s9  }
0x27: {  	s1 =	sld [smem:$0x3FA8]  }
0x28: {  	s2 =	sld [smem:$0x3FA9]  }
0x29: {  	s4 =	sld [smem:$0x3FAB]  }
0x2a: {  	p0 =	seq.s32 s5, $0x0;
	s5 =	sld [smem:$0x3FAC]  }
0x2b: {  	s6 =	sld [smem:$0x3FAD]  }
0x2c: {  	s7 =	sld [smem:$0x3FAE]  }
0x2d: {  	s3 =	simm.s32 $0x108;
	s8 =	sld [smem:$0x3FAF]  }
0x2e: {  	s3 =	simm.s32 @!p0 $0x1082;
	s9 =	sld [smem:$0x3FB0]  }
0x2f: {  	lr =	sadd.s32 s0, s3;
	s0 =	sld [smem:$0x3FA7]  }
0x30: {  	s3 =	sld [smem:$0x3FAA]  }
0x31: {  	[smem:$0x3FB3] =	sst s10  }
0x32: {  	s10 =	sld [smem:$0x3FB1];
	_ =	sdelay $0x3  }
0x33: {  	p0 =	seq.s32 s10, $0x1;
	s10 =	sld [smem:$0x3FB3];
	_ =	sdelay $0x3  }
0x34: {  	[smem:$0x3FB3] =	sst s10  }
0x35: {  	s10 =	sld [smem:$0x3FB2];
	_ =	sdelay $0x3  }
0x36: {  	p1 =	seq.s32 s10, $0x1;
	s10 =	sld [smem:$0x3FB3];
	_ =	sdelay $0x3  }
0x37: {  	[smem:$0x3FB3] =	sst s10  }
0x38: {  	s10 =	sld [smem:$0x3FB4]  }
0x39: {  	_ = 	snop;
	(pc) =	sbr.ind lr, $3  }
0x3a: {  	_ = 	snop  }
0x3b: {  	_ = 	snop  }
0x3c: {  	p2 =	seq.s32 s10, $0x1;
	s10 =	sld [smem:$0x3FB3]  }
0x3d: {  	_ =	shalt  }
0x3e: {  	_ =	shalt  }
0x3f: {  	_ =	shalt  }
0x40: {  	_ =	shalt  }
0x41: {  	_ =	shalt  }
0x42: {  	_ =	shalt  }
0x43: {  	_ =	shalt  }
0x44: {  	_ =	shalt  }
0x45: {  	_ =	shalt  }
0x46: {  	_ =	shalt  }
0x47: {  	_ =	shalt  }
0x48: {  	_ =	shalt  }
0x49: {  	_ =	shalt  }
0x4a: {  	_ =	shalt  }
0x4b: {  	_ =	shalt  }
0x4c: {  	_ =	shalt  }
0x4d: {  	_ =	shalt  }
0x4e: {  	_ =	shalt  }
0x4f: {  	_ =	shalt  }
0x50: {  	_ =	shalt  }
0x51: {  	_ =	shalt  }
0x52: {  	_ =	shalt  }
0x53: {  	_ =	shalt  }
0x54: {  	_ =	shalt  }
0x55: {  	_ =	shalt  }
0x56: {  	_ =	shalt  }
0x57: {  	_ =	shalt  }
0x58: {  	_ =	shalt  }
0x59: {  	_ =	shalt  }
0x5a: {  	_ =	shalt  }
0x5b: {  	_ =	shalt  }
0x5c: {  	_ =	shalt  }
0x5d: {  	_ =	shalt  }
0x5e: {  	_ =	shalt  }
0x5f: {  	_ =	shalt  }
0x60: {  	_ =	shalt  }
0x61: {  	_ =	shalt  }
0x62: {  	_ =	shalt  }
0x63: {  	_ =	shalt  }
0x64: {  	_ =	shalt  }
0x65: {  	_ =	shalt  }
0x66: {  	_ =	shalt  }
0x67: {  	_ =	shalt  }
0x68: {  	_ =	shalt  }
0x69: {  	_ =	shalt  }
0x6a: {  	_ =	shalt  }
0x6b: {  	_ =	shalt  }
0x6c: {  	_ =	shalt  }
0x6d: {  	_ =	shalt  }
0x6e: {  	_ =	shalt  }
0x6f: {  	_ =	shalt  }
0x70: {  	_ =	shalt  }
0x71: {  	_ =	shalt  }
0x72: {  	_ =	shalt  }
0x73: {  	_ =	shalt  }
0x74: {  	_ =	shalt  }
0x75: {  	_ =	shalt  }
0x76: {  	_ =	shalt  }
0x77: {  	_ =	shalt  }
0x78: {  	_ =	shalt  }
0x79: {  	_ =	shalt  }
0x7a: {  	_ =	shalt  }
0x7b: {  	_ =	shalt  }
0x7c: {  	_ =	shalt  }
0x7d: {  	_ =	shalt  }
0x7e: {  	_ =	shalt  }
0x7f: {  	_ =	shalt  }
0x80: {  	_ =	shalt  }
0x81: {  	_ =	shalt  }
0x82: {  	_ =	shalt  }
0x83: {  	_ =	shalt  }
0x84: {  	_ =	shalt  }
0x85: {  	_ =	shalt  }
0x86: {  	_ =	shalt  }
0x87: {  	_ =	shalt  }
.Lfunc_end0:
.L_simem_size_0:
called_computation_lowered:
.L_overlay_start_0:
0x88: {  	s2 =	sld [smem:$0x3FD9]  }
0x89: {  	s3 =	sld [smem:$0x3FFE];
	_ =	sdelay $0x1  }
0x8a: {  	s1 =	srdreg.scid  }
0x8b: {  	s0 =	sand.u32 $0x1, s1  }
0x8c: {  	s17 =	sshll.u32 s0, $0xA;
	s2 =	sadd.s32 s3, s2  }
0x8d: {  	s2 =	sadd.s32 s2, s17  }
0x8e: {  	[smem:$0x3FBF] =	sst s2  }
0x8f: {  	_ = 	snop  }
0x90: {  	s2 =	sld [smem:$0x3FD0];
	(tm) =	ssettm $0x1  }
0x91: {  	s18 =	sld [smem:$0x3FFB];
	_ =	sdelay $0x3  }
0x92: {  	_ =	strace s18  }
0x93: {  	s3 =	sld [smem:$0x3FFC];
	_ =	sdelay $0x3  }
0x94: {  	_ =	strace s3  }
0x95: {  	s3 =	sld [smem:$0x3FFD];
	_ =	sdelay $0x3  }
0x96: {  	_ =	strace s3  }
0x97: {  	_ =	strace $0x8FFFFFFF  }
0x98: {  	s19 =	sld [smem:$0x3FDB];
	_ =	sdelay $0x1  }
0x99: {  	s4 =	simm.s32 $_scs_section_size  }
0x9a: {  	s5 =	simm.s32 $_size__tile_overlayer_lowered;
	s6 =	simm.s32 $_tile_overlayer_lowered  }
0x9b: {  	s22 =	simm.s32 $0x1BFF;
	s21 =	sshll.u32 s6, $0x1;
	s3 =	sadd.s32 s4, s19  }
0x9c: {  	s7 =	simm.s32 $0x0;
	s20 =	sshll.u32 s5, $0x1;
	s5 =	sadd.s32 s21, s3  }
0x9d: {  	[timem:s7], [sflag:s22] =	dma.local [hbm:s5], s20  }
0x9e: {  	_ =	swait.ge [sflag:s22], s20  }
0x9f: {  	s4 =	ssub.s32 $0x0, s20;
	[sflag:s22] =	ssyncset.done $0x0  }
0xa0: {  	[sflag:s22] =	ssyncadd.s32 s4;
	_ =	sdelay $0x1  }
0xa1: {  	s23 =	simm.s32 $0x1B8B  }
0xa2: {  	_ =	swait.ge [sflag:s23], $0x1  }
0xa3: {  	[sflag:s23] =	ssyncset.done $0x0  }
0xa4: {  	s25 =	simm.s32 $0x1B8E;
	s24 =	sld [smem:$0x3FFE];
	[sflag:s23] =	ssyncadd.s32 $0xFFFFFFFF  }
0xa5: {  	s26 =	simm.s32 $execute0_lowered;
	[smem:$0x3FD2] =	sst s25  }
0xa6: {  	s5 =	sshll.u32 s26, $0x1;
	_ =	strace $0x80000046;
	[dreg:$0x1] =	wrdreg $0xFFFFFFFF  }
0xa7: {  	s28 =	simm.s32 $_size_execute0_lowered;
	s3 =	sadd.s32 s3, s5;
	[dreg:$0x0] =	wrdreg $0x0  }
0xa8: {  	s5 =	sshll.u32 s28, $0x1;
	[dreg:$0x2] =	wrdreg s3  }
0xa9: {  	[dreg:$0x3] =	wrdreg s5  }
0xaa: {  	[dreg:$0x4] =	wrdreg $0xC0  }
0xab: {  	_ =	task [dreg:s7], $0x5FFFF  }
0xac: {  	[dreg:$0x1] =	wrdreg $0xFFFFFFFF  }
0xad: {  	[dreg:$0x0] =	wrdreg $0x60  }
0xae: {  	[dreg:$0x2] =	wrdreg s24  }
0xaf: {  	[dreg:$0x3] =	wrdreg s2  }
0xb0: {  	[dreg:$0x4] =	wrdreg $0x9  }
0xb1: {  	_ =	task.clear_ibuf [dreg:s7], $0x5FFFF;
	_ =	strace $0x90000046  }
0xb2: {  	s29 =	simm.s32 $0x9;
	_ =	strace $0x80000048  }
0xb3: {  	_ =	swait.ge [sflag:s29], $0x1  }
0xb4: {  	[sflag:s29] =	ssyncadd.s32 $0xFFFFFFFF  }
0xb5: {  	_ =	strace $0x90000048  }
0xb6: {  	_ =	sfence  }
0xb7: {  	s30 =	sld [smem:$0x0];
	_ =	sdelay $0x2  }
0xb8: {  	s31 =	sshll.u32 s1, $0xD;
	s1 =	sshrl.u32 s1, $0x2  }
0xb9: {  	s3 =	sand.u32 $0x4000, s31;
	s1 =	sadd.s32 s1, s30  }
0xba: {  	s0 =	sor.u32 s3, s0;
	s1 =	sshll.u32 s1, $0x11  }
0xbb: {  	s0 =	sor.u32 s1, s0  }
0xbc: {  	s0 =	sadd.s32 $0x8F2B, s0  }
0xbd: {  	[sflag:s0] =	ssyncadd.remote.s32 $0x1  }
0xbe: {  	_ =	sfence.sel $0xFFFF  }
0xbf: {  	[dreg:$0x0] =	wrdreg $0xFFFFFFFF;
	(pc) =	sbr.abs _section_cstart, $3  }
0xc0: {  	[dreg:$0x1] =	wrdreg $0xFFFFFFFF  }
0xc1: {  	_ =	task.clear_ibuf [dreg:s7], $0x2FFFF;
	_ =	strace $0x9FFFFFFF  }
0xc2: {  	(tm) =	ssettm $0x7FFFFFFF  }
0xc3: {  	_ =	shalt  }
tec
execute0_lowered:
.L_overlay_start_1:
0x0: {  	(tag) =	ssettag $0x1  }
0x1: {  	s3 =	rddreg [dreg:$0x0]  }
0x2: {  	s4 =	rddreg [dreg:$0x1]  }
0x3: {  	s0 =	rddreg [dreg:$0x2];
	s5 =	srdreg.scid  }
0x4: {  	s2 =	simm.s32 $0x0;
	s1 =	stileid.u32;
	s8 =	simm.s32 $0x1  }
0x5: {  	s9 =	simm.s32 $0x8000;
	s10 =	simm.s32 $0x9000;
	s11 =	simm.s32 $0x0  }
0x6: {  	s5 =	sand.u32 $0x1, s5;
	s6 =	sshll.u32 s1, $0x2;
	[smem:$0x7FF] =	sst s2  }
0x7: {  	s7 =	sshll.u32 s5, $0x1;
	s5 =	ssub.s32 $0x2, s5;
	_ =	strace $0x80000047  }
0x8: {  	s6 =	sor.u32 s7, s6;
	s31 =	sshrl.u32 s5, $0x1;
	s7 =	simm.s32 $0x200  }
0x9: {  	s3 =	sadd.s32 s6, s3;
	s5 =	ssub.s32 s5, s31;
	s4 =	sadd.s32 s4, s6  }
0xa: {  	v0 =	vimm.s32 $0x0;
	v1 =	vlaneseq.u32;
	v2 =	vimm.s32 $0x1;
	s6 =	simm.s32 $0x10;
	s3 =	sadd.s32 $0x1600, s3;
	s5 =	smax.u32 s5, $0x1  }
.LBB2_1:
0xb: {  	[tilespmem:s2], [sflag:$0x1] =	stream.strided.gather [hbm4b:s3+s6], $0x8000, s7, s6, $0x38;
	[tilespmem:$0x9010] =	vst v63  }
0xc: {  	_ =	swait.ge [sflag:s8], $0x8000  }
0xd: {  	[sflag:s8] =	ssyncset.done $0x0  }
0xe: {  	s13 =	simm.s32 $0x8040;
	[sflag:s8] =	ssyncadd.s32 $0xFFFF8000  }
0xf: {  	[tilespmem:s13+$0xFFFFFFC0] =	vst v0  }
0x10: {  	[tilespmem:s13+$0x30] =	vst v0  }
0x11: {  	[tilespmem:s13+$0x20] =	vst v0  }
0x12: {  	[tilespmem:s13+$0x10] =	vst v0  }
0x13: {  	[tilespmem:s13+$0x0] =	vst v0  }
0x14: {  	[tilespmem:s13+$0xFFFFFFF0] =	vst v0  }
0x15: {  	s14 =	simm.s32 $0x0;
	[tilespmem:s13+$0xFFFFFFE0] =	vst v0  }
.LBB2_2:
0x16: {  	s14 =	sadd.s32 $0x8, s14;
	[tilespmem:s13+$0xFFFFFFD0] =	vst v0;
	s13 =	sadd.s32 $0x80, s13;
	s12 =	simm.s32 $0x40  }
0x17: {  	[tilespmem:s13+$0xFFFFFFC0] =	vst v0;
	p0 =	slt.u32 s14, $0xF8  }
0x18: {  	[tilespmem:s13+$0x30] =	vst v0  }
.Ltmp0:
0x19: {  	[tilespmem:s13+$0x20] =	vst v0;
	(pc) =	sbr.rel @p0 .LBB2_2-.Ltmp0, $4  }
0x1a: {  	[tilespmem:s13+$0x10] =	vst v0  }
0x1b: {  	[tilespmem:s13+$0x0] =	vst v0  }
0x1c: {  	[tilespmem:s13+$0xFFFFFFF0] =	vst v0  }
0x1d: {  	[tilespmem:s13+$0xFFFFFFE0] =	vst v0  }
0x1e: {  	[tilespmem:s13+$0xFFFFFFD0] =	vst v0  }
0x1f: {  	v3 =	vld [tilespmem:s12+$0x30]  }
0x20: {  	v4 =	vld [tilespmem:s12+$0xFFFFFFD0]  }
0x21: {  	v5 =	vld [tilespmem:s12+$0xFFFFFFE0]  }
0x22: {  	v6 =	vld [tilespmem:s12+$0xFFFFFFF0];
	_ =	sdelay $0x1  }
0x23: {  	v7 =	vld [tilespmem:s12+$0x0];
	v3 =	vshrl.u32 v3, $0x14  }
0x24: {  	v8 =	vld [tilespmem:s12+$0x10];
	v4 =	vshrl.u32 v4, $0x14;
	v3 =	vand.u32 $0xFF0, v3  }
0x25: {  	v9 =	vld [tilespmem:s12+$0x20];
	v5 =	vshrl.u32 v5, $0x14;
	v4 =	vand.u32 $0xFF0, v4;
	v3 =	vor.u32 v1, v3  }
0x26: {  	v10 =	vld [tilespmem:s12+$0xFFFFFFC0];
	v11 =	vor.u32 v1, v4;
	v4 =	vand.u32 $0xFF0, v5;
	v5 =	vshrl.u32 v6, $0x14  }
0x27: {  	v6 =	vor.u32 v1, v4;
	v4 =	vand.u32 $0xFF0, v5  }
0x28: {  	v12 =	vor.u32 v1, v4  }
0x29: {  	v5 =	vshrl.u32 v7, $0x14  }
0x2a: {  	v7 =	vshrl.u32 v9, $0x14;
	v4 =	vand.u32 $0xFF0, v5;
	v5 =	vshrl.u32 v8, $0x14;
	[tilespmem:v3+s9+$0x0] =	vst.idx.add.s32.msk $0xffff, v2  }
0x2b: {  	v8 =	vshrl.u32 v10, $0x14;
	v4 =	vor.u32 v1, v4;
	v3 =	vand.u32 $0xFF0, v5;
	[tilespmem:v11+s9+$0x0] =	vst.idx.add.s32.msk $0xffff, v2  }
0x2c: {  	v5 =	vor.u32 v1, v3;
	v3 =	vand.u32 $0xFF0, v7;
	v7 =	vand.u32 $0xFF0, v8;
	[tilespmem:v6+s9+$0x0] =	vst.idx.add.s32.msk $0xffff, v2  }
0x2d: {  	s14 =	simm.s32 $0x0;
	s15 =	simm.s32 $0xC0;
	v6 =	vor.u32 v1, v3;
	v7 =	vor.u32 v1, v7;
	[tilespmem:v12+s9+$0x0] =	vst.idx.add.s32.msk $0xffff, v2  }
.LBB2_4:
0x2e: {  	v3 =	vld [tilespmem:s15+$0x30];
	s14 =	sadd.s32 $0x8, s14  }
0x2f: {  	v8 =	vld [tilespmem:s15+$0xFFFFFFD0];
	p0 =	slt.u32 s14, $0x7F8  }
0x30: {  	v9 =	vld [tilespmem:s15+$0xFFFFFFE0]  }
0x31: {  	v10 =	vld [tilespmem:s15+$0xFFFFFFF0]  }
0x32: {  	v11 =	vld [tilespmem:s15+$0x0]  }
0x33: {  	v12 =	vld [tilespmem:s15+$0x10];
	v3 =	vshrl.u32 v3, $0x14  }
0x34: {  	v8 =	vshrl.u32 v8, $0x14;
	v13 =	vld [tilespmem:s15+$0x20];
	v14 =	vand.u32 $0xFF0, v3;
	v3 =	vimm.s32 $0x0  }
0x35: {  	v15 =	vld [tilespmem:s15+$0xFFFFFFC0];
	v8 =	vand.u32 $0xFF0, v8;
	v9 =	vshrl.u32 v9, $0x14;
	v14 =	vor.u32 v1, v14  }
0x36: {  	v8 =	vor.u32 v1, v8;
	v9 =	vand.u32 $0xFF0, v9;
	v10 =	vshrl.u32 v10, $0x14;
	[tilespmem:v7+s9+$0x0] =	vst.idx.add.s32.msk $0xffff, v2  }
0x37: {  	v9 =	vor.u32 v1, v9;
	v7 =	vand.u32 $0xFF0, v10;
	v10 =	vshrl.u32 v11, $0x14;
	[tilespmem:v4+s9+$0x0] =	vst.idx.add.s32.msk $0xffff, v2  }
0x38: {  	v11 =	vor.u32 v1, v7;
	v4 =	vand.u32 $0xFF0, v10;
	v7 =	vshrl.u32 v12, $0x14;
	[tilespmem:v5+s9+$0x0] =	vst.idx.add.s32.msk $0xffff, v2  }
.Ltmp1:
0x39: {  	v4 =	vor.u32 v1, v4;
	v5 =	vand.u32 $0xFF0, v7;
	v7 =	vshrl.u32 v13, $0x14;
	[tilespmem:v6+s9+$0x0] =	vst.idx.add.s32.msk $0xffff, v2;
	(pc) =	sbr.rel @p0 .LBB2_4-.Ltmp1, $4  }
0x3a: {  	s13 =	simm.s32 $0x0;
	s12 =	simm.s32 $0x8040;
	v6 =	vshrl.u32 v15, $0x14;
	v5 =	vor.u32 v1, v5;
	v7 =	vand.u32 $0xFF0, v7;
	[tilespmem:v14+s9+$0x0] =	vst.idx.add.s32.msk $0xffff, v2  }
0x3b: {  	v10 =	vand.u32 $0xFF0, v6;
	[tilespmem:v8+s9+$0x0] =	vst.idx.add.s32.msk $0xffff, v2;
	v6 =	vor.u32 v1, v7  }
0x3c: {  	v7 =	vor.u32 v1, v10;
	[tilespmem:v9+s9+$0x0] =	vst.idx.add.s32.msk $0xffff, v2  }
0x3d: {  	s15 =	sadd.s32 $0x80, s15;
	[tilespmem:v11+s9+$0x0] =	vst.idx.add.s32.msk $0xffff, v2  }
0x3e: {  	_ =	sdelay $0x3  }
0x3f: {  	[tilespmem:v7+s9+$0x0] =	vst.idx.add.s32.msk $0xffff, v2  }
0x40: {  	[tilespmem:v4+s9+$0x0] =	vst.idx.add.s32.msk $0xffff, v2  }
0x41: {  	[tilespmem:v5+s9+$0x0] =	vst.idx.add.s32.msk $0xffff, v2  }
0x42: {  	[tilespmem:v6+s9+$0x0] =	vst.idx.add.s32.msk $0xffff, v2  }
0x43: {  	v4 =	vld [tilespmem:s12+$0xFFFFFFC0]  }
0x44: {  	v5 =	vld [tilespmem:s12+$0xFFFFFFD0]  }
0x45: {  	v6 =	vld [tilespmem:s12+$0xFFFFFFE0];
	_ =	sdelay $0x1  }
0x46: {  	v7 =	vld [tilespmem:s12+$0xFFFFFFF0]  }
0x47: {  	v8 =	vld [tilespmem:s12+$0x0];
	v9 =	vadd.s32 v3, v4  }
0x48: {  	vm0 =	vlt.s32 v3, $0x20;
	vm1 =	vgt.s32 v9, $0x1F;
	v10 =	vadd.s32 v5, v9;
	v5 =	vld [tilespmem:s12+$0x10]  }
0x49: {  	vm6 =	vlt.s32 v9, $0x20;
	vm1 =	vmand vm0, vm1;
	v6 =	vadd.s32 v6, v10  }
0x4a: {  	v13 =	vld [tilespmem:s12+$0x20];
	vm4 =	vgt.s32 v10, $0x1F;
	vm5 =	vlt.s32 v10, $0x20;
	vm2 =	vgt.s32 v6, $0x1F  }
0x4b: {  	v4 =	vadd.s32 v7, v6;
	vm0 =	vlt.s32 v6, $0x20;
	v11 =	vsel vm1, s13, v3  }
0x4c: {  	v12 =	vld [tilespmem:s12+$0x30];
	vm9 =	vmand vm6, vm4;
	vm3 =	vgt.s32 v4, $0x1F;
	v7 =	vadd.s32 v8, v4  }
0x4d: {  	vm4 =	vlt.s32 v4, $0x20;
	vm0 =	vmand vm0, vm3;
	v5 =	vadd.s32 v5, v7  }
0x4e: {  	vm7 =	vlt.s32 v7, $0x20;
	vm3 =	vgt.s32 v7, $0x1F;
	vm8 =	vlt.s32 v5, $0x20  }
0x4f: {  	s14 =	simm.s32 $0x8;
	s15 =	simm.s32 $0x80C0;
	vm10 =	vgt.s32 v5, $0x1F;
	v8 =	vadd.s32 v13, v5;
	v13 =	vimm.s32 $0x0  }
.LBB2_6:
0x50: {  	v14 =	vld [tilespmem:s15+$0xFFFFFFC0];
	p0 =	slt.u32 s14, $0xF8;
	v13 =	vsel vm1, v3, v13;
	vm7 =	vmand vm7, vm10;
	vm1 =	vlt.s32 v8, $0x20;
	s16 =	smov.u32 s14;
	s14 =	sadd.s32 $0x8, s14  }
0x51: {  	s17 =	sadd.s32 $0x1, s13;
	vm2 =	vmand vm5, vm2;
	vm5 =	vgt.s32 v8, $0x1F;
	v3 =	vadd.s32 v12, v8;
	v15 =	vld [tilespmem:s15+$0xFFFFFFD0]  }
0x52: {  	v11 =	vsel vm9, s17, v11;
	s17 =	sadd.s32 $0x2, s13;
	vm8 =	vmand vm8, vm5;
	vm5 =	vgt.s32 v3, $0x1F  }
0x53: {  	v9 =	vsel vm9, v9, v13;
	v11 =	vsel vm2, s17, v11;
	s17 =	sadd.s32 $0x3, s13;
	vm6 =	vmand vm1, vm5;
	v12 =	vld [tilespmem:s15+$0xFFFFFFE0]  }
0x54: {  	vm3 =	vmand vm4, vm3;
	v16 =	vsel vm2, v10, v9;
	v10 =	vsel vm0, s17, v11;
	s17 =	sadd.s32 $0x4, s13;
	v13 =	vld [tilespmem:s15+$0xFFFFFFF0]  }
0x55: {  	vm1 =	vlt.s32 v3, $0x20;
	v9 =	vadd.s32 v3, v14;
	v11 =	vld [tilespmem:s15+$0x0];
	v14 =	vsel vm3, s17, v10;
	s17 =	sadd.s32 $0x5, s13  }
0x56: {  	vm2 =	vgt.s32 v9, $0x1F;
	v10 =	vadd.s32 v15, v9;
	v14 =	vsel vm7, s17, v14;
	s17 =	sadd.s32 $0x6, s13  }
0x57: {  	vm1 =	vmand vm1, vm2;
	vm4 =	vgt.s32 v10, $0x1F;
	v15 =	vld [tilespmem:s15+$0x10];
	v14 =	vsel vm8, s17, v14  }
0x58: {  	v16 =	vsel vm0, v6, v16;
	vm9 =	vlt.s32 v9, $0x20;
	v6 =	vadd.s32 v12, v10  }
0x59: {  	s17 =	sadd.s32 $0x7, s13;
	s13 =	smov.u32 s16;
	v12 =	vsel vm3, v4, v16;
	vm2 =	vgt.s32 v6, $0x1F;
	v17 =	vld [tilespmem:s15+$0x20];
	v4 =	vadd.s32 v13, v6  }
0x5a: {  	vm5 =	vlt.s32 v10, $0x20;
	vm0 =	vlt.s32 v6, $0x20;
	v13 =	vsel vm7, v7, v12  }
.Ltmp2:
0x5b: {  	vm3 =	vgt.s32 v4, $0x1F;
	v7 =	vadd.s32 v11, v4;
	v11 =	vsel vm6, s17, v14;
	v12 =	vld [tilespmem:s15+$0x30];
	(pc) =	sbr.rel @p0 .LBB2_6-.Ltmp2, $4  }
0x5c: {  	v11 =	vsel vm1, s13, v11;
	vm0 =	vmand vm0, vm3;
	vm7 =	vlt.s32 v7, $0x20  }
0x5d: {  	v13 =	vsel vm8, v5, v13;
	vm3 =	vgt.s32 v7, $0x1F;
	v5 =	vadd.s32 v15, v7  }
0x5e: {  	vm9 =	vmand vm9, vm4;
	vm4 =	vlt.s32 v4, $0x20;
	vm8 =	vlt.s32 v5, $0x20  }
0x5f: {  	s15 =	sadd.s32 $0x80, s15;
	v13 =	vsel vm6, v8, v13;
	vm10 =	vgt.s32 v5, $0x1F;
	v8 =	vadd.s32 v17, v5  }
0x60: {  	v3 =	vsel vm1, v3, v13  }
0x61: {  	vm10 =	vmand vm7, vm10;
	vm6 =	vlt.s32 v8, $0x20;
	s14 =	sadd.s32 $0x1, s13;
	vm2 =	vmand vm5, vm2  }
0x62: {  	vm11 =	vgt.s32 v8, $0x1F;
	s25 =	sadd.s32 $0x2, s13;
	[tilespmem:s12+$0xFFFFFFC0] =	vst v0;
	v11 =	vsel vm9, s14, v11;
	v3 =	vsel vm9, v9, v3  }
0x63: {  	v62 =	vadd.s32 v12, v8;
	s26 =	sadd.s32 $0x3, s13;
	[tilespmem:s12+$0x30] =	vst v0;
	v11 =	vsel vm2, s25, v11;
	v3 =	vsel vm2, v10, v3  }
0x64: {  	vm12 =	vmand vm4, vm3;
	s28 =	sadd.s32 $0x4, s13;
	[tilespmem:s12+$0x20] =	vst v0;
	v63 =	vsel vm0, s26, v11;
	v3 =	vsel vm0, v6, v3  }
0x65: {  	s29 =	sadd.s32 $0x5, s13;
	[tilespmem:s12+$0x10] =	vst v0;
	vm13 =	vmand vm8, vm11;
	v6 =	vsel vm12, s28, v63;
	v3 =	vsel vm12, v4, v3  }
0x66: {  	s30 =	sadd.s32 $0x6, s13;
	[tilespmem:s12+$0x0] =	vst v0;
	vm14 =	vgt.s32 v62, $0x1F;
	v4 =	vsel vm10, s29, v6;
	v3 =	vsel vm10, v7, v3  }
0x67: {  	s31 =	sadd.s32 $0x7, s13;
	[tilespmem:s12+$0xFFFFFFF0] =	vst v0;
	vm15 =	vmand vm6, vm14;
	v4 =	vsel vm13, s30, v4;
	v5 =	vsel vm13, v5, v3  }
0x68: {  	s13 =	simm.s32 $0x0;
	[tilespmem:s12+$0xFFFFFFE0] =	vst v0;
	v3 =	vsel vm15, s31, v4;
	v4 =	vsel vm15, v8, v5  }
.LBB2_8:
0x69: {  	s13 =	sadd.s32 $0x8, s13;
	[tilespmem:s12+$0xFFFFFFD0] =	vst v0;
	s12 =	sadd.s32 $0x80, s12  }
0x6a: {  	[tilespmem:s12+$0xFFFFFFC0] =	vst v0;
	p0 =	slt.u32 s13, $0xF8  }
0x6b: {  	[tilespmem:s12+$0x30] =	vst v0  }
.Ltmp3:
0x6c: {  	[tilespmem:s12+$0x20] =	vst v0;
	(pc) =	sbr.rel @p0 .LBB2_8-.Ltmp3, $4  }
0x6d: {  	[tilespmem:s12+$0x10] =	vst v0  }
0x6e: {  	[tilespmem:s12+$0x0] =	vst v0  }
0x6f: {  	[tilespmem:s12+$0xFFFFFFF0] =	vst v0  }
0x70: {  	[tilespmem:s12+$0xFFFFFFE0] =	vst v0  }
0x71: {  	[tilespmem:s12+$0xFFFFFFD0] =	vst v0;
	s13 =	simm.s32 $0x40  }
0x72: {  	v5 =	vld [tilespmem:s13+$0x30]  }
0x73: {  	v7 =	vld [tilespmem:s13+$0xFFFFFFC0]  }
0x74: {  	v6 =	vld [tilespmem:s13+$0xFFFFFFD0];
	_ =	sdelay $0x2  }
0x75: {  	v8 =	vshra.s32 v5, $0x18  }
0x76: {  	v9 =	vld [tilespmem:s13+$0xFFFFFFF0];
	v5 =	vshrl.u32 v5, $0xC;
	v10 =	vshra.s32 v7, $0x18;
	v11 =	vshrl.u32 v7, $0xC  }
0x77: {  	v13 =	vld [tilespmem:s13+$0x0];
	vm2 =	veq.s32 v8, v3;
	v8 =	vshrl.u32 v6, $0xC;
	v6 =	vshra.s32 v6, $0x18  }
0x78: {  	v7 =	vld [tilespmem:s13+$0xFFFFFFE0];
	v8 =	vand.u32 $0xFF0, v8;
	vm1 =	veq.s32 v6, v3;
	v6 =	vand.u32 $0xFF0, v5  }
0x79: {  	v14 =	vand.u32 $0xFF0, v11;
	v11 =	vld [tilespmem:s13+$0x20];
	v5 =	vor.u32 v1, v8;
	v8 =	vor.u32 v1, v6  }
0x7a: {  	v6 =	vld [tilespmem:s13+$0x10]  }
0x7b: {  	v12 =	vshra.s32 v9, $0x18  }
0x7c: {  	v15 =	vshra.s32 v13, $0x18;
	v13 =	vshrl.u32 v13, $0xC;
	vm3 =	veq.s32 v10, v3  }
0x7d: {  	s12 =	simm.s32 $0x0;
	v10 =	vshrl.u32 v9, $0xC;
	vm0 =	veq.s32 v15, v3;
	v9 =	vor.u32 v1, v14;
	s13 =	simm.s32 $0xC0  }
.LBB2_10:
0x7e: {  	s12 =	sadd.s32 $0x8, s12;
	v14 =	vshrl.u32 v7, $0xC;
	v13 =	vand.u32 $0xFF0, v13;
	v15 =	vshrl.u32 v11, $0xC;
	[tilespmem:v8+s9+$0x0] =	vst.idx.add.s32.msk vm2, v2  }
0x7f: {  	v8 =	vld [tilespmem:s13+$0xFFFFFFD0];
	p0 =	slt.u32 s12, $0x7F8;
	v14 =	vand.u32 $0xFF0, v14;
	v16 =	vor.u32 v1, v13;
	v13 =	vshra.s32 v6, $0x18  }
0x80: {  	v11 =	vshra.s32 v11, $0x18;
	v6 =	vshrl.u32 v6, $0xC;
	v17 =	vld [tilespmem:s13+$0x30];
	v14 =	vor.u32 v1, v14  }
0x81: {  	v10 =	vand.u32 $0xFF0, v10;
	v15 =	vand.u32 $0xFF0, v15;
	v6 =	vand.u32 $0xFF0, v6;
	v18 =	vld [tilespmem:s13+$0x0]  }
0x82: {  	v7 =	vshra.s32 v7, $0x18;
	[tilespmem:v9+s9+$0x0] =	vst.idx.add.s32.msk vm3, v2;
	vm3 =	veq.s32 v12, v3;
	v9 =	vor.u32 v1, v6  }
0x83: {  	v10 =	vor.u32 v1, v10;
	vm5 =	veq.s32 v11, v3;
	vm4 =	veq.s32 v13, v3;
	v12 =	vld [tilespmem:s13+$0xFFFFFFC0]  }
0x84: {  	v13 =	vor.u32 v1, v15;
	[tilespmem:v5+s9+$0x0] =	vst.idx.add.s32.msk vm1, v2  }
0x85: {  	vm6 =	veq.s32 v7, v3;
	v6 =	vld [tilespmem:s13+$0x10];
	v5 =	vshra.s32 v17, $0x18  }
0x86: {  	v15 =	vld [tilespmem:s13+$0xFFFFFFF0];
	vm2 =	veq.s32 v5, v3  }
0x87: {  	v11 =	vshrl.u32 v17, $0xC;
	v5 =	vshrl.u32 v8, $0xC;
	v8 =	vshra.s32 v8, $0x18;
	v7 =	vld [tilespmem:s13+$0xFFFFFFE0]  }
0x88: {  	v5 =	vand.u32 $0xFF0, v5;
	vm1 =	veq.s32 v8, v3;
	v8 =	vand.u32 $0xFF0, v11;
	[tilespmem:v10+s9+$0x0] =	vst.idx.add.s32.msk vm3, v2  }
.Ltmp4:
0x89: {  	v5 =	vor.u32 v1, v5;
	v8 =	vor.u32 v1, v8;
	v11 =	vld [tilespmem:s13+$0x20];
	(pc) =	sbr.rel @p0 .LBB2_10-.Ltmp4, $4  }
0x8a: {  	v10 =	vshra.s32 v12, $0x18;
	[tilespmem:v13+s9+$0x0] =	vst.idx.add.s32.msk vm5, v2  }
0x8b: {  	v12 =	vshrl.u32 v12, $0xC;
	vm3 =	veq.s32 v10, v3;
	v10 =	vshrl.u32 v15, $0xC;
	[tilespmem:v14+s9+$0x0] =	vst.idx.add.s32.msk vm6, v2  }
0x8c: {  	v13 =	vand.u32 $0xFF0, v12;
	v12 =	vshra.s32 v15, $0x18;
	v14 =	vshra.s32 v18, $0x18;
	[tilespmem:v9+s9+$0x0] =	vst.idx.add.s32.msk vm4, v2  }
0x8d: {  	s13 =	sadd.s32 $0x80, s13;
	v9 =	vor.u32 v1, v13;
	v13 =	vshrl.u32 v18, $0xC;
	[tilespmem:v16+s9+$0x0] =	vst.idx.add.s32.msk vm0, v2;
	vm0 =	veq.s32 v14, v3  }
0x8e: {  	_ =	sdelay $0x1  }
0x8f: {  	v14 =	vshrl.u32 v7, $0xC  }
0x90: {  	v15 =	vshrl.u32 v11, $0xC;
	vm4 =	veq.s32 v12, v3;
	v12 =	vshra.s32 v6, $0x18  }
0x91: {  	v11 =	vshra.s32 v11, $0x18;
	v10 =	vand.u32 $0xFF0, v10;
	v7 =	vshra.s32 v7, $0x18  }
0x92: {  	v6 =	vshrl.u32 v6, $0xC;
	[tilespmem:v8+s9+$0x0] =	vst.idx.add.s32.msk vm2, v2;
	v8 =	vand.u32 $0xFF0, v13;
	v10 =	vor.u32 v1, v10  }
0x93: {  	v15 =	vand.u32 $0xFF0, v15;
	vm5 =	veq.s32 v11, v3;
	v8 =	vor.u32 v1, v8  }
0x94: {  	v14 =	vand.u32 $0xFF0, v14;
	vm6 =	veq.s32 v7, v3;
	v11 =	vor.u32 v1, v15  }
0x95: {  	[tilespmem:v9+s9+$0x0] =	vst.idx.add.s32.msk vm3, v2;
	v6 =	vand.u32 $0xFF0, v6;
	vm2 =	veq.s32 v12, v3;
	v7 =	vor.u32 v1, v14  }
0x96: {  	[tilespmem:v5+s9+$0x0] =	vst.idx.add.s32.msk vm1, v2;
	v6 =	vor.u32 v1, v6  }
0x97: {  	[tilespmem:v10+s9+$0x0] =	vst.idx.add.s32.msk vm4, v2  }
0x98: {  	[tilespmem:v8+s9+$0x0] =	vst.idx.add.s32.msk vm0, v2  }
0x99: {  	[tilespmem:v11+s9+$0x0] =	vst.idx.add.s32.msk vm5, v2  }
0x9a: {  	[tilespmem:v7+s9+$0x0] =	vst.idx.add.s32.msk vm6, v2  }
0x9b: {  	s12 =	simm.s32 $0x8040;
	[tilespmem:v6+s9+$0x0] =	vst.idx.add.s32.msk vm2, v2  }
0x9c: {  	v5 =	vld [tilespmem:s12+$0xFFFFFFC0]  }
0x9d: {  	v6 =	vld [tilespmem:s12+$0xFFFFFFD0]  }
0x9e: {  	v7 =	vld [tilespmem:s12+$0xFFFFFFE0];
	_ =	sdelay $0x1  }
0x9f: {  	v12 =	vimm.s32 $0x0;
	v8 =	vld [tilespmem:s12+$0xFFFFFFF0]  }
0xa0: {  	v4 =	vsub.s32 $0x20, v4;
	v9 =	vld [tilespmem:s12+$0x0];
	v10 =	vadd.s32 v12, v5  }
0xa1: {  	vm0 =	vlt.s32 v12, v4;
	vm1 =	vge.s32 v10, v4;
	v11 =	vadd.s32 v6, v10;
	v6 =	vld [tilespmem:s12+$0x10]  }
0xa2: {  	vm6 =	vlt.s32 v10, v4;
	vm1 =	vmand vm0, vm1;
	v7 =	vadd.s32 v7, v11  }
0xa3: {  	s13 =	simm.s32 $0x0;
	v15 =	vld [tilespmem:s12+$0x20];
	vm4 =	vge.s32 v11, v4;
	vm5 =	vlt.s32 v11, v4;
	vm2 =	vge.s32 v7, v4  }
0xa4: {  	v5 =	vadd.s32 v8, v7;
	vm0 =	vlt.s32 v7, v4;
	v13 =	vsel vm1, s13, v12  }
0xa5: {  	v14 =	vld [tilespmem:s12+$0x30];
	vm9 =	vmand vm6, vm4;
	vm3 =	vge.s32 v5, v4;
	v8 =	vadd.s32 v9, v5  }
0xa6: {  	vm4 =	vlt.s32 v5, v4;
	vm0 =	vmand vm0, vm3;
	v6 =	vadd.s32 v6, v8  }
0xa7: {  	vm7 =	vlt.s32 v8, v4;
	vm3 =	vge.s32 v8, v4;
	vm8 =	vlt.s32 v6, v4  }
0xa8: {  	s14 =	simm.s32 $0x8;
	s15 =	simm.s32 $0x80C0;
	vm10 =	vge.s32 v6, v4;
	v9 =	vadd.s32 v15, v6;
	v15 =	vimm.s32 $0x0  }
.LBB2_12:
0xa9: {  	v16 =	vld [tilespmem:s15+$0xFFFFFFC0];
	p0 =	slt.u32 s14, $0xF8;
	v15 =	vsel vm1, v12, v15;
	vm7 =	vmand vm7, vm10;
	vm1 =	vlt.s32 v9, v4;
	s16 =	smov.u32 s14;
	s14 =	sadd.s32 $0x8, s14  }
0xaa: {  	s17 =	sadd.s32 $0x1, s13;
	vm2 =	vmand vm5, vm2;
	vm5 =	vge.s32 v9, v4;
	v12 =	vadd.s32 v14, v9;
	v17 =	vld [tilespmem:s15+$0xFFFFFFD0]  }
0xab: {  	v13 =	vsel vm9, s17, v13;
	s17 =	sadd.s32 $0x2, s13;
	vm8 =	vmand vm8, vm5;
	vm5 =	vge.s32 v12, v4  }
0xac: {  	v10 =	vsel vm9, v10, v15;
	v13 =	vsel vm2, s17, v13;
	s17 =	sadd.s32 $0x3, s13;
	vm6 =	vmand vm1, vm5;
	v14 =	vld [tilespmem:s15+$0xFFFFFFE0]  }
0xad: {  	vm3 =	vmand vm4, vm3;
	v18 =	vsel vm2, v11, v10;
	v11 =	vsel vm0, s17, v13;
	s17 =	sadd.s32 $0x4, s13;
	v15 =	vld [tilespmem:s15+$0xFFFFFFF0]  }
0xae: {  	vm1 =	vlt.s32 v12, v4;
	v10 =	vadd.s32 v12, v16;
	v13 =	vld [tilespmem:s15+$0x0];
	v16 =	vsel vm3, s17, v11;
	s17 =	sadd.s32 $0x5, s13  }
0xaf: {  	vm2 =	vge.s32 v10, v4;
	v11 =	vadd.s32 v17, v10;
	v16 =	vsel vm7, s17, v16;
	s17 =	sadd.s32 $0x6, s13  }
0xb0: {  	vm1 =	vmand vm1, vm2;
	vm4 =	vge.s32 v11, v4;
	v17 =	vld [tilespmem:s15+$0x10];
	v16 =	vsel vm8, s17, v16  }
0xb1: {  	v18 =	vsel vm0, v7, v18;
	vm9 =	vlt.s32 v10, v4;
	v7 =	vadd.s32 v14, v11  }
0xb2: {  	s17 =	sadd.s32 $0x7, s13;
	s13 =	smov.u32 s16;
	v14 =	vsel vm3, v5, v18;
	vm2 =	vge.s32 v7, v4;
	v19 =	vld [tilespmem:s15+$0x20];
	v5 =	vadd.s32 v15, v7  }
0xb3: {  	vm5 =	vlt.s32 v11, v4;
	vm0 =	vlt.s32 v7, v4;
	v15 =	vsel vm7, v8, v14  }
.Ltmp5:
0xb4: {  	vm3 =	vge.s32 v5, v4;
	v8 =	vadd.s32 v13, v5;
	v13 =	vsel vm6, s17, v16;
	v14 =	vld [tilespmem:s15+$0x30];
	(pc) =	sbr.rel @p0 .LBB2_12-.Ltmp5, $4  }
0xb5: {  	v13 =	vsel vm1, s13, v13;
	vm0 =	vmand vm0, vm3;
	vm7 =	vlt.s32 v8, v4  }
0xb6: {  	v15 =	vsel vm8, v6, v15;
	vm3 =	vge.s32 v8, v4;
	v6 =	vadd.s32 v17, v8  }
0xb7: {  	vm9 =	vmand vm9, vm4;
	vm4 =	vlt.s32 v5, v4;
	vm8 =	vlt.s32 v6, v4  }
0xb8: {  	s15 =	sadd.s32 $0x80, s15;
	v15 =	vsel vm6, v9, v15;
	vm10 =	vge.s32 v6, v4;
	v9 =	vadd.s32 v19, v6  }
0xb9: {  	v12 =	vsel vm1, v12, v15  }
0xba: {  	vm10 =	vmand vm7, vm10;
	vm6 =	vlt.s32 v9, v4;
	s14 =	sadd.s32 $0x1, s13;
	vm2 =	vmand vm5, vm2  }
0xbb: {  	vm11 =	vge.s32 v9, v4;
	s25 =	sadd.s32 $0x2, s13;
	[tilespmem:s12+$0xFFFFFFC0] =	vst v0;
	v13 =	vsel vm9, s14, v13;
	v10 =	vsel vm9, v10, v12  }
0xbc: {  	v61 =	vadd.s32 v14, v9;
	s26 =	sadd.s32 $0x3, s13;
	[tilespmem:s12+$0x30] =	vst v0;
	v13 =	vsel vm2, s25, v13;
	v10 =	vsel vm2, v11, v10  }
0xbd: {  	vm12 =	vmand vm4, vm3;
	s28 =	sadd.s32 $0x4, s13;
	[tilespmem:s12+$0x20] =	vst v0;
	v62 =	vsel vm0, s26, v13;
	v7 =	vsel vm0, v7, v10  }
0xbe: {  	s29 =	sadd.s32 $0x5, s13;
	[tilespmem:s12+$0x10] =	vst v0;
	vm13 =	vmand vm8, vm11;
	v63 =	vsel vm12, s28, v62;
	v5 =	vsel vm12, v5, v7  }
0xbf: {  	s30 =	sadd.s32 $0x6, s13;
	[tilespmem:s12+$0x0] =	vst v0;
	vm14 =	vge.s32 v61, v4;
	v7 =	vsel vm10, s29, v63;
	v5 =	vsel vm10, v8, v5  }
0xc0: {  	s31 =	sadd.s32 $0x7, s13;
	[tilespmem:s12+$0xFFFFFFF0] =	vst v0;
	vm15 =	vmand vm6, vm14;
	v7 =	vsel vm13, s30, v7;
	v5 =	vsel vm13, v6, v5  }
0xc1: {  	s13 =	simm.s32 $0x0;
	[tilespmem:s12+$0xFFFFFFE0] =	vst v0;
	v6 =	vsel vm15, s31, v7;
	v5 =	vsel vm15, v9, v5  }
.LBB2_14:
0xc2: {  	s13 =	sadd.s32 $0x8, s13;
	[tilespmem:s12+$0xFFFFFFD0] =	vst v0;
	s12 =	sadd.s32 $0x80, s12  }
0xc3: {  	[tilespmem:s12+$0xFFFFFFC0] =	vst v0;
	p0 =	slt.u32 s13, $0xF8  }
0xc4: {  	[tilespmem:s12+$0x30] =	vst v0  }
.Ltmp6:
0xc5: {  	[tilespmem:s12+$0x20] =	vst v0;
	(pc) =	sbr.rel @p0 .LBB2_14-.Ltmp6, $4  }
0xc6: {  	[tilespmem:s12+$0x10] =	vst v0  }
0xc7: {  	[tilespmem:s12+$0x0] =	vst v0  }
0xc8: {  	[tilespmem:s12+$0xFFFFFFF0] =	vst v0  }
0xc9: {  	[tilespmem:s12+$0xFFFFFFE0] =	vst v0  }
0xca: {  	[tilespmem:s12+$0xFFFFFFD0] =	vst v0;
	s13 =	simm.s32 $0x40  }
0xcb: {  	v7 =	vld [tilespmem:s13+$0x30]  }
0xcc: {  	v12 =	vld [tilespmem:s13+$0xFFFFFFF0]  }
0xcd: {  	v8 =	vld [tilespmem:s13+$0xFFFFFFD0]  }
0xce: {  	v10 =	vld [tilespmem:s13+$0xFFFFFFC0]  }
0xcf: {  	v3 =	vshll.u32 v3, $0x8  }
0xd0: {  	v3 =	vadd.s32 v3, v6;
	v6 =	vshra.s32 v7, $0x10  }
0xd1: {  	v14 =	vld [tilespmem:s13+$0x0];
	v7 =	vshrl.u32 v7, $0x4;
	v11 =	vshrl.u32 v12, $0x4;
	v13 =	vshra.s32 v12, $0x10  }
0xd2: {  	vm2 =	veq.s32 v6, v3;
	v6 =	vshrl.u32 v8, $0x4;
	v8 =	vshra.s32 v8, $0x10  }
0xd3: {  	v12 =	vld [tilespmem:s13+$0x20];
	v7 =	vand.u32 $0xFF0, v7;
	vm1 =	veq.s32 v8, v3;
	v8 =	vshra.s32 v10, $0x10  }
0xd4: {  	v9 =	vor.u32 v1, v7;
	vm3 =	veq.s32 v8, v3;
	v8 =	vld [tilespmem:s13+$0xFFFFFFE0]  }
0xd5: {  	v7 =	vld [tilespmem:s13+$0x10]  }
0xd6: {  	v15 =	vshra.s32 v14, $0x10;
	v10 =	vshrl.u32 v10, $0x4  }
0xd7: {  	v14 =	vshrl.u32 v14, $0x4;
	v6 =	vand.u32 $0xFF0, v6;
	v10 =	vand.u32 $0xFF0, v10  }
0xd8: {  	s12 =	simm.s32 $0x0;
	vm0 =	veq.s32 v15, v3;
	v6 =	vor.u32 v1, v6;
	s13 =	simm.s32 $0xC0;
	v10 =	vor.u32 v1, v10  }
.LBB2_16:
0xd9: {  	s12 =	sadd.s32 $0x8, s12;
	v15 =	vshrl.u32 v8, $0x4;
	v14 =	vand.u32 $0xFF0, v14;
	v16 =	vshrl.u32 v12, $0x4;
	[tilespmem:v9+s9+$0x0] =	vst.idx.add.s32.msk vm2, v2  }
0xda: {  	v9 =	vld [tilespmem:s13+$0xFFFFFFD0];
	p0 =	slt.u32 s12, $0x7F8;
	v15 =	vand.u32 $0xFF0, v15;
	v17 =	vor.u32 v1, v14;
	v14 =	vshra.s32 v7, $0x10  }
0xdb: {  	v12 =	vshra.s32 v12, $0x10;
	v7 =	vshrl.u32 v7, $0x4;
	v18 =	vld [tilespmem:s13+$0x30];
	v15 =	vor.u32 v1, v15  }
0xdc: {  	v11 =	vand.u32 $0xFF0, v11;
	v16 =	vand.u32 $0xFF0, v16;
	v7 =	vand.u32 $0xFF0, v7;
	v19 =	vld [tilespmem:s13+$0x0]  }
0xdd: {  	v8 =	vshra.s32 v8, $0x10;
	[tilespmem:v10+s9+$0x0] =	vst.idx.add.s32.msk vm3, v2;
	vm3 =	veq.s32 v13, v3;
	v10 =	vor.u32 v1, v7  }
0xde: {  	v11 =	vor.u32 v1, v11;
	vm5 =	veq.s32 v12, v3;
	vm4 =	veq.s32 v14, v3;
	v13 =	vld [tilespmem:s13+$0xFFFFFFC0]  }
0xdf: {  	v14 =	vor.u32 v1, v16;
	[tilespmem:v6+s9+$0x0] =	vst.idx.add.s32.msk vm1, v2  }
0xe0: {  	vm6 =	veq.s32 v8, v3;
	v7 =	vld [tilespmem:s13+$0x10];
	v6 =	vshra.s32 v18, $0x10  }
0xe1: {  	v16 =	vld [tilespmem:s13+$0xFFFFFFF0];
	vm2 =	veq.s32 v6, v3  }
0xe2: {  	v12 =	vshrl.u32 v18, $0x4;
	v6 =	vshrl.u32 v9, $0x4;
	v9 =	vshra.s32 v9, $0x10;
	v8 =	vld [tilespmem:s13+$0xFFFFFFE0]  }
0xe3: {  	v6 =	vand.u32 $0xFF0, v6;
	vm1 =	veq.s32 v9, v3;
	v9 =	vand.u32 $0xFF0, v12;
	[tilespmem:v11+s9+$0x0] =	vst.idx.add.s32.msk vm3, v2  }
.Ltmp7:
0xe4: {  	v6 =	vor.u32 v1, v6;
	v9 =	vor.u32 v1, v9;
	v12 =	vld [tilespmem:s13+$0x20];
	(pc) =	sbr.rel @p0 .LBB2_16-.Ltmp7, $4  }
0xe5: {  	v11 =	vshra.s32 v13, $0x10;
	[tilespmem:v14+s9+$0x0] =	vst.idx.add.s32.msk vm5, v2  }
0xe6: {  	v13 =	vshrl.u32 v13, $0x4;
	vm3 =	veq.s32 v11, v3;
	v11 =	vshrl.u32 v16, $0x4;
	[tilespmem:v15+s9+$0x0] =	vst.idx.add.s32.msk vm6, v2  }
0xe7: {  	v14 =	vand.u32 $0xFF0, v13;
	v13 =	vshra.s32 v16, $0x10;
	v15 =	vshra.s32 v19, $0x10;
	[tilespmem:v10+s9+$0x0] =	vst.idx.add.s32.msk vm4, v2  }
0xe8: {  	s13 =	sadd.s32 $0x80, s13;
	v10 =	vor.u32 v1, v14;
	v14 =	vshrl.u32 v19, $0x4;
	[tilespmem:v17+s9+$0x0] =	vst.idx.add.s32.msk vm0, v2;
	vm0 =	veq.s32 v15, v3  }
0xe9: {  	_ =	sdelay $0x1  }
0xea: {  	v15 =	vshrl.u32 v8, $0x4  }
0xeb: {  	v16 =	vshrl.u32 v12, $0x4;
	vm4 =	veq.s32 v13, v3;
	v13 =	vshra.s32 v7, $0x10  }
0xec: {  	v12 =	vshra.s32 v12, $0x10;
	v11 =	vand.u32 $0xFF0, v11;
	v8 =	vshra.s32 v8, $0x10  }
0xed: {  	v7 =	vshrl.u32 v7, $0x4;
	[tilespmem:v9+s9+$0x0] =	vst.idx.add.s32.msk vm2, v2;
	v9 =	vand.u32 $0xFF0, v14;
	v11 =	vor.u32 v1, v11  }
0xee: {  	v16 =	vand.u32 $0xFF0, v16;
	vm5 =	veq.s32 v12, v3;
	v9 =	vor.u32 v1, v9  }
0xef: {  	v15 =	vand.u32 $0xFF0, v15;
	vm6 =	veq.s32 v8, v3;
	v12 =	vor.u32 v1, v16  }
0xf0: {  	[tilespmem:v10+s9+$0x0] =	vst.idx.add.s32.msk vm3, v2;
	v7 =	vand.u32 $0xFF0, v7;
	vm2 =	veq.s32 v13, v3;
	v8 =	vor.u32 v1, v15  }
0xf1: {  	[tilespmem:v6+s9+$0x0] =	vst.idx.add.s32.msk vm1, v2;
	v7 =	vor.u32 v1, v7  }
0xf2: {  	[tilespmem:v11+s9+$0x0] =	vst.idx.add.s32.msk vm4, v2  }
0xf3: {  	[tilespmem:v9+s9+$0x0] =	vst.idx.add.s32.msk vm0, v2  }
0xf4: {  	[tilespmem:v12+s9+$0x0] =	vst.idx.add.s32.msk vm5, v2  }
0xf5: {  	[tilespmem:v8+s9+$0x0] =	vst.idx.add.s32.msk vm6, v2  }
0xf6: {  	s12 =	simm.s32 $0x8040;
	[tilespmem:v7+s9+$0x0] =	vst.idx.add.s32.msk vm2, v2  }
0xf7: {  	v6 =	vld [tilespmem:s12+$0xFFFFFFC0]  }
0xf8: {  	v7 =	vld [tilespmem:s12+$0xFFFFFFD0]  }
0xf9: {  	v8 =	vld [tilespmem:s12+$0xFFFFFFE0]  }
0xfa: {  	v9 =	vld [tilespmem:s12+$0xFFFFFFF0]  }
0xfb: {  	v10 =	vimm.s32 $0x0;
	v11 =	vld [tilespmem:s12+$0x0]  }
0xfc: {  	v12 =	vld [tilespmem:s12+$0x10];
	v6 =	vadd.s32 v10, v6  }
0xfd: {  	v13 =	vld [tilespmem:s12+$0x20];
	v7 =	vadd.s32 v7, v6  }
0xfe: {  	v14 =	vld [tilespmem:s12+$0x30];
	v8 =	vadd.s32 v8, v7  }
0xff: {  	v4 =	vsub.s32 v4, v5;
	v9 =	vadd.s32 v9, v8  }
0x100: {  	vm1 =	vlt.s32 v10, v4;
	vm0 =	vge.s32 v6, v4;
	v11 =	vadd.s32 v11, v9  }
0x101: {  	s25 =	simm.s32 $0x80C0;
	vm2 =	vlt.s32 v6, v4;
	vm1 =	vmand vm1, vm0;
	v12 =	vadd.s32 v12, v11  }
0x102: {  	s13 =	simm.s32 $0x0;
	v6 =	vld [tilespmem:s25+$0xFFFFFFC0];
	vm12 =	vge.s32 v7, v4;
	vm13 =	vlt.s32 v7, v4;
	v5 =	vadd.s32 v13, v12  }
0x103: {  	vm15 =	vmmov vm2;
	v10 =	vsel vm1, s13, v10;
	v13 =	vadd.s32 v14, v5;
	v14 =	vld [tilespmem:s25+$0xFFFFFFD0]  }
0x104: {  	v15 =	vld [tilespmem:s25+$0xFFFFFFE0];
	vm9 =	vge.s32 v8, v4;
	vm14 =	vlt.s32 v8, v4;
	vm12 =	vmand vm15, vm12  }
0x105: {  	s26 =	simm.s32 $0x1;
	vm10 =	vge.s32 v9, v4;
	vm8 =	vge.s32 v11, v4;
	vm7 =	vlt.s32 v11, v4;
	v11 =	vld [tilespmem:s25+$0xFFFFFFF0]  }
0x106: {  	vm11 =	vlt.s32 v9, v4;
	v9 =	vld [tilespmem:s25+$0x0];
	vm9 =	vmand vm13, vm9;
	v10 =	vsel vm12, s26, v10  }
0x107: {  	vm6 =	vge.s32 v12, v4;
	vm5 =	vlt.s32 v12, v4;
	v12 =	vld [tilespmem:s25+$0x10];
	v6 =	vadd.s32 v13, v6  }
0x108: {  	vm0 =	vge.s32 v5, v4;
	vm4 =	vlt.s32 v5, v4;
	v5 =	vadd.s32 v14, v6;
	v14 =	vld [tilespmem:s25+$0x20]  }
0x109: {  	s28 =	simm.s32 $0x2;
	vm2 =	vge.s32 v6, v4;
	vm1 =	vlt.s32 v6, v4;
	v6 =	vadd.s32 v15, v5;
	v15 =	vld [tilespmem:s25+$0x30]  }
0x10a: {  	s29 =	simm.s32 $0x3;
	vm10 =	vmand vm14, vm10;
	v10 =	vsel vm9, s28, v10;
	v7 =	vadd.s32 v11, v6  }
0x10b: {  	vm8 =	vmand vm11, vm8;
	v10 =	vsel vm10, s29, v10;
	v8 =	vadd.s32 v9, v7  }
0x10c: {  	s30 =	simm.s32 $0x4;
	vm7 =	vmand vm7, vm6;
	vm3 =	vge.s32 v13, v4;
	v9 =	vadd.s32 v12, v8  }
0x10d: {  	s31 =	simm.s32 $0x5;
	vm6 =	vlt.s32 v13, v4;
	v12 =	vsel vm8, s30, v10;
	v11 =	vadd.s32 v14, v9  }
0x10e: {  	s15 =	simm.s32 $0x6;
	s14 =	simm.s32 $0x10;
	vm5 =	vmand vm5, vm0;
	v12 =	vsel vm7, s31, v12;
	v10 =	vadd.s32 v15, v11  }
0x10f: {  	s12 =	simm.s32 $0x8;
	s13 =	simm.s32 $0x8140;
	vm4 =	vmand vm4, vm3;
	v12 =	vsel vm5, s15, v12;
	s15 =	simm.s32 $0x7;
	vm0 =	vge.s32 v10, v4  }
.LBB2_18:
0x110: {  	v13 =	vld [tilespmem:s13+$0xFFFFFFC0];
	p0 =	slt.u32 s14, $0xF8;
	vm2 =	vmand vm6, vm2;
	vm3 =	vge.s32 v11, v4;
	v12 =	vsel vm4, s15, v12;
	s15 =	smov.u32 s12;
	s12 =	smov.u32 s14  }
0x111: {  	vm6 =	vge.s32 v9, v4;
	vm4 =	vlt.s32 v11, v4;
	v14 =	vld [tilespmem:s13+$0xFFFFFFD0];
	v12 =	vsel vm2, s15, v12  }
0x112: {  	vm8 =	vge.s32 v8, v4;
	vm7 =	vlt.s32 v8, v4;
	vm5 =	vlt.s32 v9, v4;
	v11 =	vld [tilespmem:s13+$0xFFFFFFE0]  }
0x113: {  	vm9 =	vge.s32 v6, v4;
	vm10 =	vge.s32 v7, v4;
	vm11 =	vlt.s32 v7, v4;
	v8 =	vld [tilespmem:s13+$0xFFFFFFF0]  }
0x114: {  	vm12 =	vge.s32 v5, v4;
	vm13 =	vlt.s32 v5, v4;
	vm14 =	vlt.s32 v6, v4;
	v9 =	vld [tilespmem:s13+$0x0]  }
0x115: {  	vm15 =	vmmov vm1;
	v6 =	vadd.s32 v10, v13;
	v13 =	vld [tilespmem:s13+$0x10]  }
0x116: {  	vm2 =	vge.s32 v6, v4;
	v5 =	vadd.s32 v14, v6;
	vm1 =	vlt.s32 v6, v4;
	v14 =	vld [tilespmem:s13+$0x20]  }
0x117: {  	vm12 =	vmand vm15, vm12;
	s16 =	sadd.s32 $0x1, s15;
	vm9 =	vmand vm13, vm9;
	v6 =	vadd.s32 v11, v5;
	v15 =	vld [tilespmem:s13+$0x30]  }
0x118: {  	vm10 =	vmand vm14, vm10;
	v11 =	vsel vm12, s16, v12;
	s16 =	sadd.s32 $0x2, s15;
	v7 =	vadd.s32 v8, v6  }
.Ltmp8:
0x119: {  	vm8 =	vmand vm11, vm8;
	v11 =	vsel vm9, s16, v11;
	s16 =	sadd.s32 $0x3, s15;
	v8 =	vadd.s32 v9, v7;
	(pc) =	sbr.rel @p0 .LBB2_18-.Ltmp8, $4  }
0x11a: {  	vm7 =	vmand vm7, vm6;
	v12 =	vsel vm10, s16, v11;
	s16 =	sadd.s32 $0x4, s15;
	v9 =	vadd.s32 v13, v8  }
0x11b: {  	vm6 =	vlt.s32 v10, v4;
	v12 =	vsel vm8, s16, v12;
	s16 =	sadd.s32 $0x5, s15;
	v11 =	vadd.s32 v14, v9  }
0x11c: {  	vm3 =	vmand vm5, vm3;
	v12 =	vsel vm7, s16, v12;
	s16 =	sadd.s32 $0x6, s15;
	v10 =	vadd.s32 v15, v11  }
0x11d: {  	s14 =	sadd.s32 $0x8, s14;
	vm4 =	vmand vm4, vm0;
	s13 =	sadd.s32 $0x80, s13;
	s15 =	sadd.s32 $0x7, s15;
	v12 =	vsel vm3, s16, v12;
	vm0 =	vge.s32 v10, v4  }
0x11e: {  	vm2 =	vmand vm6, vm2;
	vm3 =	vge.s32 v11, v4;
	v10 =	vsel vm4, s15, v12  }
0x11f: {  	vm14 =	vge.s32 v8, v4;
	vm5 =	vge.s32 v6, v4;
	vm15 =	vge.s32 v5, v4  }
0x120: {  	vm1 =	vmmov vm1;
	vm7 =	vge.s32 v7, v4;
	vm8 =	vlt.s32 v5, v4  }
0x121: {  	s13 =	sadd.s32 $0x1, s12;
	vm10 =	vlt.s32 v6, v4;
	v10 =	vsel vm2, s12, v10;
	vm1 =	vmand vm1, vm15  }
0x122: {  	s25 =	sadd.s32 $0x2, s12;
	vm11 =	vlt.s32 v7, v4;
	vm5 =	vmand vm8, vm5;
	v62 =	vsel vm1, s13, v10  }
0x123: {  	s26 =	sadd.s32 $0x3, s12;
	vm12 =	vlt.s32 v8, v4;
	vm6 =	vmand vm10, vm7;
	v5 =	vsel vm5, s25, v62  }
0x124: {  	s28 =	sadd.s32 $0x4, s12;
	vm2 =	vge.s32 v9, v4;
	vm1 =	vmand vm11, vm14;
	v5 =	vsel vm6, s26, v5  }
0x125: {  	vm13 =	vlt.s32 v9, v4;
	s29 =	sadd.s32 $0x5, s12;
	vm2 =	vmand vm12, vm2;
	v5 =	vsel vm1, s28, v5  }
0x126: {  	s30 =	sadd.s32 $0x6, s12;
	vm15 =	vmand vm13, vm3;
	vm14 =	vlt.s32 v11, v4;
	v63 =	vsel vm2, s29, v5  }
0x127: {  	s31 =	sadd.s32 $0x7, s12;
	vm0 =	vmand vm14, vm0;
	v4 =	vsel vm15, s30, v63  }
0x128: {  	v4 =	vsel vm0, s31, v4  }
0x129: {  	v3 =	vshll.u32 v3, $0x10;
	s11 =	sadd.s32 $0x1, s11;
	v4 =	vshll.u32 v4, $0x8  }
0x12a: {  	p0 =	sne.s32 s11, s5;
	v3 =	vadd.s32 v3, v4  }
.Ltmp9:
0x12b: {  	[tilespmem:$0x9000] =	vst v3;
	(pc) =	sbr.rel @p0 .LBB2_1-.Ltmp9, $4  }
0x12c: {  	[hbm4b:s4+s2] =	stream.linear.scatter [tilespmem:s10], [sflag:$0x1], $0x10, $0x38;
	[tilespmem:$0x9010] =	vst v63  }
0x12d: {  	_ =	swait.ge [sflag:s8], $0x10  }
0x12e: {  	[sflag:s8] =	ssyncset.done $0x0  }
0x12f: {  	[sflag:s8] =	ssyncadd.s32 $0xFFFFFFF0  }
0x130: {  	_ =	sfence.sel $0x180000  }
0x131: {  	[bflag:$0x0] =	sbarrier.arrive $0xFFFF  }
0x132: {  	p0 =	sne.s32 s1, $0x0;
	_ =	strace $0x90000047  }
0x133: {  	s0 =	sadd.s32 @!p0 $0x100000, s0;
	[bflag:$0x2] =	sbarrier.arrive $0xFFFF  }
0x134: {  	[sflag:s0] =	ssyncadd.tile.s32 @!p0 $0x1;
	_ =	shalt  }
.Lfunc_end2:
_tile_overlayer_lowered:
.L_overlay_start_2:
0x135: {  	(tag) =	ssettag $0x2  }
0x136: {  	s0 =	rddreg [dreg:$0x0];
	s2 =	stileid.u32  }
0x137: {  	s1 =	rddreg [dreg:$0x1];
	p0 =	sne.s32 s2, $0x0  }
0x138: {  	s3 =	rddreg [dreg:$0x2];
	[bflag:$0x3] =	sbarrier.arrive $0xFFFF;
	s2 =	simm.s32 @!p0 $0x1C01  }
0x139: {  	[timem:s3], [sflag:s2] =	dma.local @!p0 [hbm:s0], s1  }
0x13a: {  	s0 =	simm.s32 @!p0 $0x1  }
0x13b: {  	_ =	swait.ge @!p0 [sflag:s0], s1  }
0x13c: {  	s1 =	ssub.s32 @!p0 $0x0, s1;
	[sflag:s0] =	ssyncset.done @!p0 $0x0  }
0x13d: {  	[sflag:s0] =	ssyncadd.s32 @!p0 s1  }
0x13e: {  	[bflag:$0x3] =	sbarrier.arrive $0xFFFF  }
0x13f: {  	_ =	shalt  }

</sc_bundles>
